<compile_context>
chip_gen: v7x
topology: tpu7x:2x2x1
jax: 0.10.2.dev20260603
libtpu: 0.0.44.dev20260713+nightly
codegen_flags: <defaults>
</compile_context>

<pallas_src>
import functools

import jax
import jax.numpy as jnp
from jax import lax
from jax.experimental import pallas as pl
from jax.experimental.pallas import tpu as pltpu
from jax.experimental.pallas import tpu_sc as plsc

NS = 16
NC = 2
NW = NC * NS
CH = 80
D = 128


def _mesh():
    return plsc.VectorSubcoreMesh(core_axis_name="c", subcore_axis_name="s")


def _deg_kernel(NP, NCH):
    rpt = NP // NS

    @functools.partial(
        pl.kernel,
        out_type=jax.ShapeDtypeStruct((NC, NP, D), jnp.float32),
        mesh=_mesh(),
        scratch_types=[
            pltpu.VMEM((CH,), jnp.int32),
            pltpu.VMEM((CH, D), jnp.float32),
            pltpu.VMEM_SHARED((NP, D), jnp.float32),
            pltpu.SemaphoreType.DMA,
        ],
    )
    def k(dstT, ones, zeros, out, dstv, ones_v, acc, sem):
        c = lax.axis_index("c")
        s = lax.axis_index("s")
        wid = c * NS + s
        r0 = s * rpt
        pltpu.sync_copy(zeros.at[pl.ds(r0, rpt)], acc.at[pl.ds(r0, rpt)])
        pltpu.sync_copy(ones, ones_v)
        plsc.subcore_barrier()

        def body(j, carry):
            base = wid * (NCH * CH) + j * CH
            pltpu.sync_copy(dstT.at[pl.ds(base, CH)], dstv)
            pltpu.async_copy(ones_v, acc.at[dstv], sem, add=True).wait()
            return carry

        lax.fori_loop(0, NCH, body, 0)
        plsc.subcore_barrier()
        pltpu.sync_copy(acc.at[pl.ds(r0, rpt)], out.at[c, pl.ds(r0, rpt)])

    return k


def _agg_kernel(NP, NCH):
    rpt = NP // NS

    @functools.partial(
        pl.kernel,
        out_type=jax.ShapeDtypeStruct((NC, NP, D), jnp.float32),
        mesh=_mesh(),
        scratch_types=[
            pltpu.VMEM((CH,), jnp.int32),
            pltpu.VMEM((CH,), jnp.int32),
            pltpu.VMEM((CH, D), jnp.float32),
            pltpu.VMEM_SHARED((NP, D), jnp.float32),
            pltpu.SemaphoreType.DMA,
            pltpu.SemaphoreType.DMA,
        ],
    )
    def k(hs, srcF, dstF, out, srcv, dstv, buf, acc, sem, sem2):
        c = lax.axis_index("c")
        s = lax.axis_index("s")
        wid = c * NS + s
        r0 = s * rpt
        pltpu.sync_copy(hs.at[pl.ds(r0, rpt)], acc.at[pl.ds(r0, rpt)])
        plsc.subcore_barrier()

        def body(j, carry):
            base = wid * (NCH * CH) + j * CH
            pltpu.sync_copy(srcF.at[pl.ds(base, CH)], srcv)
            pltpu.sync_copy(dstF.at[pl.ds(base, CH)], dstv)
            pltpu.async_copy(hs.at[srcv], buf, sem).wait()
            pltpu.async_copy(buf, acc.at[dstv], sem2, add=True).wait()
            return carry

        lax.fori_loop(0, NCH, body, 0)
        plsc.subcore_barrier()
        pltpu.sync_copy(acc.at[pl.ds(r0, rpt)], out.at[c, pl.ds(r0, rpt)])

    return k


def _stage0_call(x, W1, d0, d1, NP, RB):
    Nn, Din = x.shape
    Dh = W1.shape[1]
    grid = (NP // RB,)

    def body(x_r, w_r, d0_r, d1_r, hs_r, dinv_r):
        deg = d0_r[...] + d1_r[...] + 1.0
        dinv = lax.rsqrt(deg)
        dinv_r[...] = dinv
        h = jnp.dot(x_r[...], w_r[...], preferred_element_type=jnp.float32)
        hs_r[...] = dinv * h

    return pl.pallas_call(
        body,
        grid=grid,
        in_specs=[
            pl.BlockSpec((RB, Din), lambda i: (i, 0)),
            pl.BlockSpec((Din, Dh), lambda i: (0, 0)),
            pl.BlockSpec((RB, 1), lambda i: (i, 0)),
            pl.BlockSpec((RB, 1), lambda i: (i, 0)),
        ],
        out_specs=[
            pl.BlockSpec((RB, Dh), lambda i: (i, 0)),
            pl.BlockSpec((RB, 1), lambda i: (i, 0)),
        ],
        out_shape=[
            jax.ShapeDtypeStruct((NP, Dh), jnp.float32),
            jax.ShapeDtypeStruct((NP, 1), jnp.float32),
        ],
    )(x, W1, d0, d1)


def _stagemid_call(p0, p1, hs, dinv, b, W, RB):
    Nn, Dh0 = hs.shape
    Dh = W.shape[1]
    grid = (Nn // RB,)

    def body(p0_r, p1_r, hs_r, dinv_r, b_r, w_r, o_r):
        dv = dinv_r[...]
        t = jnp.maximum(dv * (p0_r[...] + p1_r[...] - hs_r[...]) + b_r[...], 0.0)
        o_r[...] = dv * jnp.dot(t, w_r[...], preferred_element_type=jnp.float32)

    return pl.pallas_call(
        body,
        grid=grid,
        in_specs=[
            pl.BlockSpec((RB, Dh0), lambda i: (i, 0)),
            pl.BlockSpec((RB, Dh0), lambda i: (i, 0)),
            pl.BlockSpec((RB, Dh0), lambda i: (i, 0)),
            pl.BlockSpec((RB, 1), lambda i: (i, 0)),
            pl.BlockSpec((1, Dh0), lambda i: (0, 0)),
            pl.BlockSpec((Dh0, Dh), lambda i: (0, 0)),
        ],
        out_specs=pl.BlockSpec((RB, Dh), lambda i: (i, 0)),
        out_shape=jax.ShapeDtypeStruct((Nn, Dh), jnp.float32),
    )(p0, p1, hs, dinv, b, W)


def _stagefinal_call(p0, p1, hs, dinv, b, W, bo, Nn, RB):
    Dh0 = hs.shape[1]
    Do = W.shape[1]
    grid = (Nn // RB,)

    def body(p0_r, p1_r, hs_r, dinv_r, b_r, w_r, bo_r, o_r):
        dv = dinv_r[...]
        t = jnp.maximum(dv * (p0_r[...] + p1_r[...] - hs_r[...]) + b_r[...], 0.0)
        o_r[...] = jnp.dot(t, w_r[...], preferred_element_type=jnp.float32) + bo_r[...]

    return pl.pallas_call(
        body,
        grid=grid,
        in_specs=[
            pl.BlockSpec((RB, Dh0), lambda i: (i, 0)),
            pl.BlockSpec((RB, Dh0), lambda i: (i, 0)),
            pl.BlockSpec((RB, Dh0), lambda i: (i, 0)),
            pl.BlockSpec((RB, 1), lambda i: (i, 0)),
            pl.BlockSpec((1, Dh0), lambda i: (0, 0)),
            pl.BlockSpec((Dh0, Do), lambda i: (0, 0)),
            pl.BlockSpec((1, Do), lambda i: (0, 0)),
        ],
        out_specs=pl.BlockSpec((RB, Do), lambda i: (i, 0)),
        out_shape=jax.ShapeDtypeStruct((Nn, Do), jnp.float32),
    )(p0, p1, hs, dinv, b, W, bo)


def kernel(x, edge_index, W1, b1, W2, b2, Wout, bout):
    Nn, Din = x.shape
    E = edge_index.shape[1]
    per_tile = E // NW
    assert per_tile * NW == E
    NCH = per_tile // CH
    assert NCH * CH == per_tile

    RBP = 2048
    NP = ((Nn + RBP - 1) // RBP) * RBP

    src_f = edge_index[0]
    dst_f = edge_index[1]

    ones = jnp.zeros((CH, D), jnp.float32).at[:, 0].set(1.0)
    zeros = jnp.zeros((NP, D), jnp.float32)
    degp = _deg_kernel(NP, NCH)(dst_f, ones, zeros)
    d0 = degp[0, :, 0:1]
    d1 = degp[1, :, 0:1]

    hs1, dinv = _stage0_call(x, W1, d0, d1, NP, RBP)

    agg = _agg_kernel(NP, NCH)
    p = agg(hs1, src_f, dst_f)
    hs2 = _stagemid_call(p[0], p[1], hs1, dinv, b1.reshape(1, -1), W2, RBP)
    q = agg(hs2, src_f, dst_f)
    RB = 2000
    assert Nn % RB == 0
    out = _stagefinal_call(
        q[0], q[1], hs2, dinv, b2.reshape(1, -1), Wout, bout.reshape(1, -1), Nn, RB
    )
    return out

# --- scband reference (transcript-rebuilt; emitter-appended) ---
"""Pipeline reference for scband-gm-gcn-42726334660716 (READ-ONLY COPY).

The authoritative reference and input builder live on the scoring server;
editing this copy changes nothing except your own understanding.
"""

import jax, jax.numpy as jnp
import numpy as np

N = 10000
E = 320000
D_IN = 128
D_HID = 128
N_CLASSES = 40


def setup_inputs(seed: int = 0) -> dict:
    key = jax.random.key(seed)
    ks = jax.random.split(key, 8)
    x = jax.random.normal(ks[0], (N, D_IN), dtype=jnp.float32)
    edge_index = jax.random.randint(ks[1], (2, E), 0, N, dtype=jnp.int32)
    W1 = jax.random.normal(ks[2], (D_IN, D_HID), dtype=jnp.float32) / np.sqrt(D_IN)
    b1 = jnp.zeros((D_HID,), dtype=jnp.float32)
    W2 = jax.random.normal(ks[3], (D_HID, D_HID), dtype=jnp.float32) / np.sqrt(D_HID)
    b2 = jnp.zeros((D_HID,), dtype=jnp.float32)
    Wout = jax.random.normal(ks[4], (D_HID, N_CLASSES), dtype=jnp.float32) / np.sqrt(D_HID)
    bout = jnp.zeros((N_CLASSES,), dtype=jnp.float32)
    return {"x": x, "edge_index": edge_index, "W1": W1, "b1": b1, "W2": W2, "b2": b2, "Wout": Wout, "bout": bout}


def _gcn_norm(edge_index, num_nodes):
    # PyG gcn_norm: add self loops (fill value 1.0), symmetric normalization
    src = edge_index[0]
    dst = edge_index[1]
    loop = jnp.arange(num_nodes, dtype=src.dtype)
    src = jnp.concatenate([src, loop], axis=0)
    dst = jnp.concatenate([dst, loop], axis=0)
    ew = jnp.ones(src.shape[0], dtype=jnp.float32)
    deg = jnp.zeros((num_nodes,), dtype=jnp.float32).at[dst].add(ew)
    deg_inv_sqrt = jnp.where(deg > 0, 1.0 / jnp.sqrt(deg), 0.0)
    norm = deg_inv_sqrt[src] * ew * deg_inv_sqrt[dst]
    return src, dst, norm


def _gcn_conv(x, W, b, src, dst, norm, num_nodes):
    # x' = x @ W; aggregate: out[dst] += norm * x'[src]; out += bias
    h = x @ W
    msg = norm[:, None] * jnp.take(h, src, axis=0)
    out = jnp.zeros((num_nodes, h.shape[1]), dtype=h.dtype).at[dst].add(msg)
    return out + b


def reference(x, edge_index, W1, b1, W2, b2, Wout, bout):
    num_nodes = x.shape[0]
    src, dst, norm = _gcn_norm(edge_index, num_nodes)
    h = _gcn_conv(x, W1, b1, src, dst, norm, num_nodes)
    h = jax.nn.relu(h)  # dropout=0 -> identity
    h = _gcn_conv(h, W2, b2, src, dst, norm, num_nodes)
    h = jax.nn.relu(h)
    out = h @ Wout + bout
    return out

if __name__ == "__main__":
    import jax
    _d = setup_inputs()
    print(jax.jit(kernel)(*tuple(_d.values())))

</pallas_src>

<mosaic_0001>
#map = affine_map<(d0, d1) -> (0, 0)>
#map1 = affine_map<(d0, d1) -> (0)>
#map2 = affine_map<(d0, d1) -> (0, 0, 0)>
module attributes {stable_mosaic.version = 14 : i64} {
  func.func @k(%arg0: i32, %arg1: i32, %arg2: memref<10240x128xf32, #tpu.memory_space<hbm>>, %arg3: memref<320000xi32, #tpu.memory_space<hbm>>, %arg4: memref<320000xi32, #tpu.memory_space<hbm>>, %arg5: memref<2x10240x128xf32, #tpu.memory_space<hbm>>, %arg6: memref<80xi32, #tpu.memory_space<vmem>>, %arg7: memref<80xi32, #tpu.memory_space<vmem>>, %arg8: memref<80x128xf32, #tpu.memory_space<vmem>>, %arg9: memref<10240x128xf32, #tpu.memory_space<vmem_shared>>, %arg10: memref<!tpu.dma_semaphore, #tpu.memory_space<semaphore_mem>>, %arg11: memref<!tpu.dma_semaphore, #tpu.memory_space<semaphore_mem>>) attributes {dimension_semantics = [#tpu.dimension_semantics<core_parallel>, #tpu.dimension_semantics<subcore_parallel>], iteration_bounds = array<i64: 2, 16>, scalar_prefetch = 0 : i64, scratch_operands = 6 : i64, tpu.core_type = #tpu.core_type<sc_vector_subcore>, window_params = [{transform_indices = #map}, {transform_indices = #map1}, {transform_indices = #map1}, {transform_indices = #map2}]} {
    %mul3A = arith.constant 16 : i32
    %mul3A_0 = arith.muli %arg0, %mul3A : i32
    %add3A = arith.addi %mul3A_0, %arg1 : i32
    %mul3A_1 = arith.constant 640 : i32
    %mul3A_2 = arith.muli %arg1, %mul3A_1 : i32
    "tpu.region"() ({
      %run_scoped3A = tpu.sem_alloc : memref<!tpu.dma_semaphore, #tpu.memory_space<semaphore_mem>>
      %dma_start3A = arith.constant 0 : i32
      %dma_start3A_9 = tpu.memref_slice %arg9[%mul3A_2, %dma_start3A] : memref<10240x128xf32, #tpu.memory_space<vmem_shared>> -> memref<640x128xf32, #tpu.memory_space<vmem_shared>>
      %dma_start3A_10 = arith.constant 0 : i32
      %dma_start3A_11 = tpu.memref_slice %arg2[%mul3A_2, %dma_start3A_10] : memref<10240x128xf32, #tpu.memory_space<hbm>> -> memref<640x128xf32, #tpu.memory_space<hbm>>
      tpu.enqueue_dma source(%dma_start3A_11 : memref<640x128xf32, #tpu.memory_space<hbm>>) target(%dma_start3A_9 : memref<640x128xf32, #tpu.memory_space<vmem_shared>>) target_semaphore(%run_scoped3A : memref<!tpu.dma_semaphore, #tpu.memory_space<semaphore_mem>>)
      %dma_wait3A = arith.constant 0 : i32
      %dma_wait3A_12 = tpu.memref_slice %arg9[%mul3A_2, %dma_wait3A] : memref<10240x128xf32, #tpu.memory_space<vmem_shared>> -> memref<640x128xf32, #tpu.memory_space<vmem_shared>>
      %dma_wait3A_13 = arith.constant 0 : i32
      %dma_wait3A_14 = tpu.memref_slice %arg2[%mul3A_2, %dma_wait3A_13] : memref<10240x128xf32, #tpu.memory_space<hbm>> -> memref<640x128xf32, #tpu.memory_space<hbm>>
      tpu.wait_dma2 semaphore(%run_scoped3A : memref<!tpu.dma_semaphore, #tpu.memory_space<semaphore_mem>>) src(%dma_wait3A_14 : memref<640x128xf32, #tpu.memory_space<hbm>>) dst(%dma_wait3A_12 : memref<640x128xf32, #tpu.memory_space<vmem_shared>>)
      tpu.yield
    }) : () -> ()
    %barrier3A = arith.constant 0 : index
    tpu.barrier barrier_id(%barrier3A)
    %scan3A = arith.constant 0 : i32
    %scan3A_3 = arith.constant 0 : i32
    %scan3A_4 = arith.constant 125 : i32
    %scan3A_5 = arith.addi %scan3A_3, %scan3A_4 : i32
    %scan3A_6 = arith.constant 1 : i32
    scf.for %scan3A_9 = %scan3A_3 to %scan3A_5 step %scan3A_6  : i32 {
      %mul3A_10 = arith.constant 10000 : i32
      %mul3A_11 = arith.muli %add3A, %mul3A_10 : i32
      %mul3A_12 = arith.constant 80 : i32
      %mul3A_13 = arith.muli %scan3A_9, %mul3A_12 : i32
      %add3A_14 = arith.addi %mul3A_11, %mul3A_13 : i32
      "tpu.region"() ({
        %run_scoped3A = tpu.sem_alloc : memref<!tpu.dma_semaphore, #tpu.memory_space<semaphore_mem>>
        %dma_start3A_25 = tpu.memref_slice %arg3[%add3A_14] : memref<320000xi32, #tpu.memory_space<hbm>> -> memref<80xi32, #tpu.memory_space<hbm>>
        %dma_start3A_26 = tpu.memref_slice %arg3[%add3A_14] : memref<320000xi32, #tpu.memory_space<hbm>> -> memref<80xi32, #tpu.memory_space<hbm>>
        tpu.enqueue_dma source(%dma_start3A_26 : memref<80xi32, #tpu.memory_space<hbm>>) target(%arg6 : memref<80xi32, #tpu.memory_space<vmem>>) target_semaphore(%run_scoped3A : memref<!tpu.dma_semaphore, #tpu.memory_space<semaphore_mem>>)
        %dma_wait3A_27 = tpu.memref_slice %arg3[%add3A_14] : memref<320000xi32, #tpu.memory_space<hbm>> -> memref<80xi32, #tpu.memory_space<hbm>>
        %dma_wait3A_28 = tpu.memref_slice %arg3[%add3A_14] : memref<320000xi32, #tpu.memory_space<hbm>> -> memref<80xi32, #tpu.memory_space<hbm>>
        tpu.wait_dma2 semaphore(%run_scoped3A : memref<!tpu.dma_semaphore, #tpu.memory_space<semaphore_mem>>) src(%dma_wait3A_28 : memref<80xi32, #tpu.memory_space<hbm>>) dst(%arg6 : memref<80xi32, #tpu.memory_space<vmem>>)
        tpu.yield
      }) : () -> ()
      "tpu.region"() ({
        %run_scoped3A = tpu.sem_alloc : memref<!tpu.dma_semaphore, #tpu.memory_space<semaphore_mem>>
        %dma_start3A_25 = tpu.memref_slice %arg4[%add3A_14] : memref<320000xi32, #tpu.memory_space<hbm>> -> memref<80xi32, #tpu.memory_space<hbm>>
        %dma_start3A_26 = tpu.memref_slice %arg4[%add3A_14] : memref<320000xi32, #tpu.memory_space<hbm>> -> memref<80xi32, #tpu.memory_space<hbm>>
        tpu.enqueue_dma source(%dma_start3A_26 : memref<80xi32, #tpu.memory_space<hbm>>) target(%arg7 : memref<80xi32, #tpu.memory_space<vmem>>) target_semaphore(%run_scoped3A : memref<!tpu.dma_semaphore, #tpu.memory_space<semaphore_mem>>)
        %dma_wait3A_27 = tpu.memref_slice %arg4[%add3A_14] : memref<320000xi32, #tpu.memory_space<hbm>> -> memref<80xi32, #tpu.memory_space<hbm>>
        %dma_wait3A_28 = tpu.memref_slice %arg4[%add3A_14] : memref<320000xi32, #tpu.memory_space<hbm>> -> memref<80xi32, #tpu.memory_space<hbm>>
        tpu.wait_dma2 semaphore(%run_scoped3A : memref<!tpu.dma_semaphore, #tpu.memory_space<semaphore_mem>>) src(%dma_wait3A_28 : memref<80xi32, #tpu.memory_space<hbm>>) dst(%arg7 : memref<80xi32, #tpu.memory_space<vmem>>)
        tpu.yield
      }) : () -> ()
      %dma_start3A = arith.constant 0 : i32
      %dma_start3A_15 = arith.constant 0 : i32
      %dma_start3A_16 = tpu.memref_slice %arg2[%dma_start3A, %dma_start3A_15] : memref<10240x128xf32, #tpu.memory_space<hbm>> -> memref<10240x128xf32, #tpu.memory_space<hbm>>
      tpu.enqueue_indirect_dma source(%dma_start3A_16 : memref<10240x128xf32, #tpu.memory_space<hbm>>) target(%arg8 : memref<80x128xf32, #tpu.memory_space<vmem>>) offsets(%arg6 : memref<80xi32, #tpu.memory_space<vmem>>) semaphore(%arg10 : memref<!tpu.dma_semaphore, #tpu.memory_space<semaphore_mem>>)
      %dma_wait3A = arith.constant 0 : i32
      %dma_wait3A_17 = arith.constant 0 : i32
      %dma_wait3A_18 = tpu.memref_slice %arg2[%dma_wait3A, %dma_wait3A_17] : memref<10240x128xf32, #tpu.memory_space<hbm>> -> memref<10240x128xf32, #tpu.memory_space<hbm>>
      tpu.wait_indirect_dma semaphore(%arg10 : memref<!tpu.dma_semaphore, #tpu.memory_space<semaphore_mem>>) src(%dma_wait3A_18 : memref<10240x128xf32, #tpu.memory_space<hbm>>) dst(%arg8 : memref<80x128xf32, #tpu.memory_space<vmem>>)
      %dma_start3A_19 = arith.constant 0 : i32
      %dma_start3A_20 = arith.constant 0 : i32
      %dma_start3A_21 = tpu.memref_slice %arg9[%dma_start3A_19, %dma_start3A_20] : memref<10240x128xf32, #tpu.memory_space<vmem_shared>> -> memref<10240x128xf32, #tpu.memory_space<vmem_shared>>
      tpu.enqueue_indirect_dma source(%arg8 : memref<80x128xf32, #tpu.memory_space<vmem>>) target(%dma_start3A_21 : memref<10240x128xf32, #tpu.memory_space<vmem_shared>>) offsets(%arg7 : memref<80xi32, #tpu.memory_space<vmem>>) semaphore(%arg11 : memref<!tpu.dma_semaphore, #tpu.memory_space<semaphore_mem>>) {add = true}
      %dma_wait3A_22 = arith.constant 0 : i32
      %dma_wait3A_23 = arith.constant 0 : i32
      %dma_wait3A_24 = tpu.memref_slice %arg9[%dma_wait3A_22, %dma_wait3A_23] : memref<10240x128xf32, #tpu.memory_space<vmem_shared>> -> memref<10240x128xf32, #tpu.memory_space<vmem_shared>>
      tpu.wait_indirect_dma semaphore(%arg11 : memref<!tpu.dma_semaphore, #tpu.memory_space<semaphore_mem>>) src(%arg8 : memref<80x128xf32, #tpu.memory_space<vmem>>) dst(%dma_wait3A_24 : memref<10240x128xf32, #tpu.memory_space<vmem_shared>>)
    }
    %scan3A_7 = arith.constant 125 : i32
    %barrier3A_8 = arith.constant 0 : index
    tpu.barrier barrier_id(%barrier3A_8)
    "tpu.region"() ({
      %run_scoped3A = tpu.sem_alloc : memref<!tpu.dma_semaphore, #tpu.memory_space<semaphore_mem>>
      %dma_start3A = arith.constant 0 : i32
      %dma_start3A_9 = tpu.memref_slice %arg5[%arg0, %mul3A_2, %dma_start3A] : memref<2x10240x128xf32, #tpu.memory_space<hbm>> -> memref<1x640x128xf32, #tpu.memory_space<hbm>>
      %dma_start3A_10 = tpu.memref_squeeze %dma_start3A_9 : memref<1x640x128xf32, #tpu.memory_space<hbm>> -> memref<640x128xf32, #tpu.memory_space<hbm>>
      %dma_start3A_11 = arith.constant 0 : i32
      %dma_start3A_12 = tpu.memref_slice %arg9[%mul3A_2, %dma_start3A_11] : memref<10240x128xf32, #tpu.memory_space<vmem_shared>> -> memref<640x128xf32, #tpu.memory_space<vmem_shared>>
      tpu.enqueue_dma source(%dma_start3A_12 : memref<640x128xf32, #tpu.memory_space<vmem_shared>>) target(%dma_start3A_10 : memref<640x128xf32, #tpu.memory_space<hbm>>) target_semaphore(%run_scoped3A : memref<!tpu.dma_semaphore, #tpu.memory_space<semaphore_mem>>)
      %dma_wait3A = arith.constant 0 : i32
      %dma_wait3A_13 = tpu.memref_slice %arg5[%arg0, %mul3A_2, %dma_wait3A] : memref<2x10240x128xf32, #tpu.memory_space<hbm>> -> memref<1x640x128xf32, #tpu.memory_space<hbm>>
      %dma_wait3A_14 = tpu.memref_squeeze %dma_wait3A_13 : memref<1x640x128xf32, #tpu.memory_space<hbm>> -> memref<640x128xf32, #tpu.memory_space<hbm>>
      %dma_wait3A_15 = arith.constant 0 : i32
      %dma_wait3A_16 = tpu.memref_slice %arg9[%mul3A_2, %dma_wait3A_15] : memref<10240x128xf32, #tpu.memory_space<vmem_shared>> -> memref<640x128xf32, #tpu.memory_space<vmem_shared>>
      tpu.wait_dma2 semaphore(%run_scoped3A : memref<!tpu.dma_semaphore, #tpu.memory_space<semaphore_mem>>) src(%dma_wait3A_16 : memref<640x128xf32, #tpu.memory_space<vmem_shared>>) dst(%dma_wait3A_14 : memref<640x128xf32, #tpu.memory_space<hbm>>)
      tpu.yield
    }) : () -> ()
    return
  }
}

#map = affine_map<(d0, d1) -> (0)>
#map1 = affine_map<(d0, d1) -> (0, 0)>
#map2 = affine_map<(d0, d1) -> (0, 0, 0)>
module attributes {stable_mosaic.version = 14 : i64} {
  func.func @k(%arg0: i32, %arg1: i32, %arg2: memref<320000xi32, #tpu.memory_space<hbm>>, %arg3: memref<80x128xf32, #tpu.memory_space<hbm>>, %arg4: memref<10240x128xf32, #tpu.memory_space<hbm>>, %arg5: memref<2x10240x128xf32, #tpu.memory_space<hbm>>, %arg6: memref<80xi32, #tpu.memory_space<vmem>>, %arg7: memref<80x128xf32, #tpu.memory_space<vmem>>, %arg8: memref<10240x128xf32, #tpu.memory_space<vmem_shared>>, %arg9: memref<!tpu.dma_semaphore, #tpu.memory_space<semaphore_mem>>) attributes {dimension_semantics = [#tpu.dimension_semantics<core_parallel>, #tpu.dimension_semantics<subcore_parallel>], iteration_bounds = array<i64: 2, 16>, scalar_prefetch = 0 : i64, scratch_operands = 4 : i64, tpu.core_type = #tpu.core_type<sc_vector_subcore>, window_params = [{transform_indices = #map}, {transform_indices = #map1}, {transform_indices = #map1}, {transform_indices = #map2}]} {
    %mul3A = arith.constant 16 : i32
    %mul3A_0 = arith.muli %arg0, %mul3A : i32
    %add3A = arith.addi %mul3A_0, %arg1 : i32
    %mul3A_1 = arith.constant 640 : i32
    %mul3A_2 = arith.muli %arg1, %mul3A_1 : i32
    "tpu.region"() ({
      %run_scoped3A = tpu.sem_alloc : memref<!tpu.dma_semaphore, #tpu.memory_space<semaphore_mem>>
      %dma_start3A = arith.constant 0 : i32
      %dma_start3A_9 = tpu.memref_slice %arg8[%mul3A_2, %dma_start3A] : memref<10240x128xf32, #tpu.memory_space<vmem_shared>> -> memref<640x128xf32, #tpu.memory_space<vmem_shared>>
      %dma_start3A_10 = arith.constant 0 : i32
      %dma_start3A_11 = tpu.memref_slice %arg4[%mul3A_2, %dma_start3A_10] : memref<10240x128xf32, #tpu.memory_space<hbm>> -> memref<640x128xf32, #tpu.memory_space<hbm>>
      tpu.enqueue_dma source(%dma_start3A_11 : memref<640x128xf32, #tpu.memory_space<hbm>>) target(%dma_start3A_9 : memref<640x128xf32, #tpu.memory_space<vmem_shared>>) target_semaphore(%run_scoped3A : memref<!tpu.dma_semaphore, #tpu.memory_space<semaphore_mem>>)
      %dma_wait3A = arith.constant 0 : i32
      %dma_wait3A_12 = tpu.memref_slice %arg8[%mul3A_2, %dma_wait3A] : memref<10240x128xf32, #tpu.memory_space<vmem_shared>> -> memref<640x128xf32, #tpu.memory_space<vmem_shared>>
      %dma_wait3A_13 = arith.constant 0 : i32
      %dma_wait3A_14 = tpu.memref_slice %arg4[%mul3A_2, %dma_wait3A_13] : memref<10240x128xf32, #tpu.memory_space<hbm>> -> memref<640x128xf32, #tpu.memory_space<hbm>>
      tpu.wait_dma2 semaphore(%run_scoped3A : memref<!tpu.dma_semaphore, #tpu.memory_space<semaphore_mem>>) src(%dma_wait3A_14 : memref<640x128xf32, #tpu.memory_space<hbm>>) dst(%dma_wait3A_12 : memref<640x128xf32, #tpu.memory_space<vmem_shared>>)
      tpu.yield
    }) : () -> ()
    "tpu.region"() ({
      %run_scoped3A = tpu.sem_alloc : memref<!tpu.dma_semaphore, #tpu.memory_space<semaphore_mem>>
      tpu.enqueue_dma source(%arg3 : memref<80x128xf32, #tpu.memory_space<hbm>>) target(%arg7 : memref<80x128xf32, #tpu.memory_space<vmem>>) target_semaphore(%run_scoped3A : memref<!tpu.dma_semaphore, #tpu.memory_space<semaphore_mem>>)
      tpu.wait_dma2 semaphore(%run_scoped3A : memref<!tpu.dma_semaphore, #tpu.memory_space<semaphore_mem>>) src(%arg3 : memref<80x128xf32, #tpu.memory_space<hbm>>) dst(%arg7 : memref<80x128xf32, #tpu.memory_space<vmem>>)
      tpu.yield
    }) : () -> ()
    %barrier3A = arith.constant 0 : index
    tpu.barrier barrier_id(%barrier3A)
    %scan3A = arith.constant 0 : i32
    %scan3A_3 = arith.constant 0 : i32
    %scan3A_4 = arith.constant 125 : i32
    %scan3A_5 = arith.addi %scan3A_3, %scan3A_4 : i32
    %scan3A_6 = arith.constant 1 : i32
    scf.for %scan3A_9 = %scan3A_3 to %scan3A_5 step %scan3A_6  : i32 {
      %mul3A_10 = arith.constant 10000 : i32
      %mul3A_11 = arith.muli %add3A, %mul3A_10 : i32
      %mul3A_12 = arith.constant 80 : i32
      %mul3A_13 = arith.muli %scan3A_9, %mul3A_12 : i32
      %add3A_14 = arith.addi %mul3A_11, %mul3A_13 : i32
      "tpu.region"() ({
        %run_scoped3A = tpu.sem_alloc : memref<!tpu.dma_semaphore, #tpu.memory_space<semaphore_mem>>
        %dma_start3A_19 = tpu.memref_slice %arg2[%add3A_14] : memref<320000xi32, #tpu.memory_space<hbm>> -> memref<80xi32, #tpu.memory_space<hbm>>
        %dma_start3A_20 = tpu.memref_slice %arg2[%add3A_14] : memref<320000xi32, #tpu.memory_space<hbm>> -> memref<80xi32, #tpu.memory_space<hbm>>
        tpu.enqueue_dma source(%dma_start3A_20 : memref<80xi32, #tpu.memory_space<hbm>>) target(%arg6 : memref<80xi32, #tpu.memory_space<vmem>>) target_semaphore(%run_scoped3A : memref<!tpu.dma_semaphore, #tpu.memory_space<semaphore_mem>>)
        %dma_wait3A_21 = tpu.memref_slice %arg2[%add3A_14] : memref<320000xi32, #tpu.memory_space<hbm>> -> memref<80xi32, #tpu.memory_space<hbm>>
        %dma_wait3A_22 = tpu.memref_slice %arg2[%add3A_14] : memref<320000xi32, #tpu.memory_space<hbm>> -> memref<80xi32, #tpu.memory_space<hbm>>
        tpu.wait_dma2 semaphore(%run_scoped3A : memref<!tpu.dma_semaphore, #tpu.memory_space<semaphore_mem>>) src(%dma_wait3A_22 : memref<80xi32, #tpu.memory_space<hbm>>) dst(%arg6 : memref<80xi32, #tpu.memory_space<vmem>>)
        tpu.yield
      }) : () -> ()
      %dma_start3A = arith.constant 0 : i32
      %dma_start3A_15 = arith.constant 0 : i32
      %dma_start3A_16 = tpu.memref_slice %arg8[%dma_start3A, %dma_start3A_15] : memref<10240x128xf32, #tpu.memory_space<vmem_shared>> -> memref<10240x128xf32, #tpu.memory_space<vmem_shared>>
      tpu.enqueue_indirect_dma source(%arg7 : memref<80x128xf32, #tpu.memory_space<vmem>>) target(%dma_start3A_16 : memref<10240x128xf32, #tpu.memory_space<vmem_shared>>) offsets(%arg6 : memref<80xi32, #tpu.memory_space<vmem>>) semaphore(%arg9 : memref<!tpu.dma_semaphore, #tpu.memory_space<semaphore_mem>>) {add = true}
      %dma_wait3A = arith.constant 0 : i32
      %dma_wait3A_17 = arith.constant 0 : i32
      %dma_wait3A_18 = tpu.memref_slice %arg8[%dma_wait3A, %dma_wait3A_17] : memref<10240x128xf32, #tpu.memory_space<vmem_shared>> -> memref<10240x128xf32, #tpu.memory_space<vmem_shared>>
      tpu.wait_indirect_dma semaphore(%arg9 : memref<!tpu.dma_semaphore, #tpu.memory_space<semaphore_mem>>) src(%arg7 : memref<80x128xf32, #tpu.memory_space<vmem>>) dst(%dma_wait3A_18 : memref<10240x128xf32, #tpu.memory_space<vmem_shared>>)
    }
    %scan3A_7 = arith.constant 125 : i32
    %barrier3A_8 = arith.constant 0 : index
    tpu.barrier barrier_id(%barrier3A_8)
    "tpu.region"() ({
      %run_scoped3A = tpu.sem_alloc : memref<!tpu.dma_semaphore, #tpu.memory_space<semaphore_mem>>
      %dma_start3A = arith.constant 0 : i32
      %dma_start3A_9 = tpu.memref_slice %arg5[%arg0, %mul3A_2, %dma_start3A] : memref<2x10240x128xf32, #tpu.memory_space<hbm>> -> memref<1x640x128xf32, #tpu.memory_space<hbm>>
      %dma_start3A_10 = tpu.memref_squeeze %dma_start3A_9 : memref<1x640x128xf32, #tpu.memory_space<hbm>> -> memref<640x128xf32, #tpu.memory_space<hbm>>
      %dma_start3A_11 = arith.constant 0 : i32
      %dma_start3A_12 = tpu.memref_slice %arg8[%mul3A_2, %dma_start3A_11] : memref<10240x128xf32, #tpu.memory_space<vmem_shared>> -> memref<640x128xf32, #tpu.memory_space<vmem_shared>>
      tpu.enqueue_dma source(%dma_start3A_12 : memref<640x128xf32, #tpu.memory_space<vmem_shared>>) target(%dma_start3A_10 : memref<640x128xf32, #tpu.memory_space<hbm>>) target_semaphore(%run_scoped3A : memref<!tpu.dma_semaphore, #tpu.memory_space<semaphore_mem>>)
      %dma_wait3A = arith.constant 0 : i32
      %dma_wait3A_13 = tpu.memref_slice %arg5[%arg0, %mul3A_2, %dma_wait3A] : memref<2x10240x128xf32, #tpu.memory_space<hbm>> -> memref<1x640x128xf32, #tpu.memory_space<hbm>>
      %dma_wait3A_14 = tpu.memref_squeeze %dma_wait3A_13 : memref<1x640x128xf32, #tpu.memory_space<hbm>> -> memref<640x128xf32, #tpu.memory_space<hbm>>
      %dma_wait3A_15 = arith.constant 0 : i32
      %dma_wait3A_16 = tpu.memref_slice %arg8[%mul3A_2, %dma_wait3A_15] : memref<10240x128xf32, #tpu.memory_space<vmem_shared>> -> memref<640x128xf32, #tpu.memory_space<vmem_shared>>
      tpu.wait_dma2 semaphore(%run_scoped3A : memref<!tpu.dma_semaphore, #tpu.memory_space<semaphore_mem>>) src(%dma_wait3A_16 : memref<640x128xf32, #tpu.memory_space<vmem_shared>>) dst(%dma_wait3A_14 : memref<640x128xf32, #tpu.memory_space<hbm>>)
      tpu.yield
    }) : () -> ()
    return
  }
}

#map = affine_map<(d0, d1) -> (0, 0)>
#map1 = affine_map<(d0, d1) -> (0)>
#map2 = affine_map<(d0, d1) -> (0, 0, 0)>
module attributes {stable_mosaic.version = 14 : i64} {
  func.func @k(%arg0: i32, %arg1: i32, %arg2: memref<10240x128xf32, #tpu.memory_space<hbm>>, %arg3: memref<320000xi32, #tpu.memory_space<hbm>>, %arg4: memref<320000xi32, #tpu.memory_space<hbm>>, %arg5: memref<2x10240x128xf32, #tpu.memory_space<hbm>>, %arg6: memref<80xi32, #tpu.memory_space<vmem>>, %arg7: memref<80xi32, #tpu.memory_space<vmem>>, %arg8: memref<80x128xf32, #tpu.memory_space<vmem>>, %arg9: memref<10240x128xf32, #tpu.memory_space<vmem_shared>>, %arg10: memref<!tpu.dma_semaphore, #tpu.memory_space<semaphore_mem>>, %arg11: memref<!tpu.dma_semaphore, #tpu.memory_space<semaphore_mem>>) attributes {dimension_semantics = [#tpu.dimension_semantics<core_parallel>, #tpu.dimension_semantics<subcore_parallel>], iteration_bounds = array<i64: 2, 16>, scalar_prefetch = 0 : i64, scratch_operands = 6 : i64, tpu.core_type = #tpu.core_type<sc_vector_subcore>, window_params = [{transform_indices = #map}, {transform_indices = #map1}, {transform_indices = #map1}, {transform_indices = #map2}]} {
    %mul3A = arith.constant 16 : i32
    %mul3A_0 = arith.muli %arg0, %mul3A : i32
    %add3A = arith.addi %mul3A_0, %arg1 : i32
    %mul3A_1 = arith.constant 640 : i32
    %mul3A_2 = arith.muli %arg1, %mul3A_1 : i32
    "tpu.region"() ({
      %run_scoped3A = tpu.sem_alloc : memref<!tpu.dma_semaphore, #tpu.memory_space<semaphore_mem>>
      %dma_start3A = arith.constant 0 : i32
      %dma_start3A_9 = tpu.memref_slice %arg9[%mul3A_2, %dma_start3A] : memref<10240x128xf32, #tpu.memory_space<vmem_shared>> -> memref<640x128xf32, #tpu.memory_space<vmem_shared>>
      %dma_start3A_10 = arith.constant 0 : i32
      %dma_start3A_11 = tpu.memref_slice %arg2[%mul3A_2, %dma_start3A_10] : memref<10240x128xf32, #tpu.memory_space<hbm>> -> memref<640x128xf32, #tpu.memory_space<hbm>>
      tpu.enqueue_dma source(%dma_start3A_11 : memref<640x128xf32, #tpu.memory_space<hbm>>) target(%dma_start3A_9 : memref<640x128xf32, #tpu.memory_space<vmem_shared>>) target_semaphore(%run_scoped3A : memref<!tpu.dma_semaphore, #tpu.memory_space<semaphore_mem>>)
      %dma_wait3A = arith.constant 0 : i32
      %dma_wait3A_12 = tpu.memref_slice %arg9[%mul3A_2, %dma_wait3A] : memref<10240x128xf32, #tpu.memory_space<vmem_shared>> -> memref<640x128xf32, #tpu.memory_space<vmem_shared>>
      %dma_wait3A_13 = arith.constant 0 : i32
      %dma_wait3A_14 = tpu.memref_slice %arg2[%mul3A_2, %dma_wait3A_13] : memref<10240x128xf32, #tpu.memory_space<hbm>> -> memref<640x128xf32, #tpu.memory_space<hbm>>
      tpu.wait_dma2 semaphore(%run_scoped3A : memref<!tpu.dma_semaphore, #tpu.memory_space<semaphore_mem>>) src(%dma_wait3A_14 : memref<640x128xf32, #tpu.memory_space<hbm>>) dst(%dma_wait3A_12 : memref<640x128xf32, #tpu.memory_space<vmem_shared>>)
      tpu.yield
    }) : () -> ()
    %barrier3A = arith.constant 0 : index
    tpu.barrier barrier_id(%barrier3A)
    %scan3A = arith.constant 0 : i32
    %scan3A_3 = arith.constant 0 : i32
    %scan3A_4 = arith.constant 125 : i32
    %scan3A_5 = arith.addi %scan3A_3, %scan3A_4 : i32
    %scan3A_6 = arith.constant 1 : i32
    scf.for %scan3A_9 = %scan3A_3 to %scan3A_5 step %scan3A_6  : i32 {
      %mul3A_10 = arith.constant 10000 : i32
      %mul3A_11 = arith.muli %add3A, %mul3A_10 : i32
      %mul3A_12 = arith.constant 80 : i32
      %mul3A_13 = arith.muli %scan3A_9, %mul3A_12 : i32
      %add3A_14 = arith.addi %mul3A_11, %mul3A_13 : i32
      "tpu.region"() ({
        %run_scoped3A = tpu.sem_alloc : memref<!tpu.dma_semaphore, #tpu.memory_space<semaphore_mem>>
        %dma_start3A_25 = tpu.memref_slice %arg3[%add3A_14] : memref<320000xi32, #tpu.memory_space<hbm>> -> memref<80xi32, #tpu.memory_space<hbm>>
        %dma_start3A_26 = tpu.memref_slice %arg3[%add3A_14] : memref<320000xi32, #tpu.memory_space<hbm>> -> memref<80xi32, #tpu.memory_space<hbm>>
        tpu.enqueue_dma source(%dma_start3A_26 : memref<80xi32, #tpu.memory_space<hbm>>) target(%arg6 : memref<80xi32, #tpu.memory_space<vmem>>) target_semaphore(%run_scoped3A : memref<!tpu.dma_semaphore, #tpu.memory_space<semaphore_mem>>)
        %dma_wait3A_27 = tpu.memref_slice %arg3[%add3A_14] : memref<320000xi32, #tpu.memory_space<hbm>> -> memref<80xi32, #tpu.memory_space<hbm>>
        %dma_wait3A_28 = tpu.memref_slice %arg3[%add3A_14] : memref<320000xi32, #tpu.memory_space<hbm>> -> memref<80xi32, #tpu.memory_space<hbm>>
        tpu.wait_dma2 semaphore(%run_scoped3A : memref<!tpu.dma_semaphore, #tpu.memory_space<semaphore_mem>>) src(%dma_wait3A_28 : memref<80xi32, #tpu.memory_space<hbm>>) dst(%arg6 : memref<80xi32, #tpu.memory_space<vmem>>)
        tpu.yield
      }) : () -> ()
      "tpu.region"() ({
        %run_scoped3A = tpu.sem_alloc : memref<!tpu.dma_semaphore, #tpu.memory_space<semaphore_mem>>
        %dma_start3A_25 = tpu.memref_slice %arg4[%add3A_14] : memref<320000xi32, #tpu.memory_space<hbm>> -> memref<80xi32, #tpu.memory_space<hbm>>
        %dma_start3A_26 = tpu.memref_slice %arg4[%add3A_14] : memref<320000xi32, #tpu.memory_space<hbm>> -> memref<80xi32, #tpu.memory_space<hbm>>
        tpu.enqueue_dma source(%dma_start3A_26 : memref<80xi32, #tpu.memory_space<hbm>>) target(%arg7 : memref<80xi32, #tpu.memory_space<vmem>>) target_semaphore(%run_scoped3A : memref<!tpu.dma_semaphore, #tpu.memory_space<semaphore_mem>>)
        %dma_wait3A_27 = tpu.memref_slice %arg4[%add3A_14] : memref<320000xi32, #tpu.memory_space<hbm>> -> memref<80xi32, #tpu.memory_space<hbm>>
        %dma_wait3A_28 = tpu.memref_slice %arg4[%add3A_14] : memref<320000xi32, #tpu.memory_space<hbm>> -> memref<80xi32, #tpu.memory_space<hbm>>
        tpu.wait_dma2 semaphore(%run_scoped3A : memref<!tpu.dma_semaphore, #tpu.memory_space<semaphore_mem>>) src(%dma_wait3A_28 : memref<80xi32, #tpu.memory_space<hbm>>) dst(%arg7 : memref<80xi32, #tpu.memory_space<vmem>>)
        tpu.yield
      }) : () -> ()
      %dma_start3A = arith.constant 0 : i32
      %dma_start3A_15 = arith.constant 0 : i32
      %dma_start3A_16 = tpu.memref_slice %arg2[%dma_start3A, %dma_start3A_15] : memref<10240x128xf32, #tpu.memory_space<hbm>> -> memref<10240x128xf32, #tpu.memory_space<hbm>>
      tpu.enqueue_indirect_dma source(%dma_start3A_16 : memref<10240x128xf32, #tpu.memory_space<hbm>>) target(%arg8 : memref<80x128xf32, #tpu.memory_space<vmem>>) offsets(%arg6 : memref<80xi32, #tpu.memory_space<vmem>>) semaphore(%arg10 : memref<!tpu.dma_semaphore, #tpu.memory_space<semaphore_mem>>)
      %dma_wait3A = arith.constant 0 : i32
      %dma_wait3A_17 = arith.constant 0 : i32
      %dma_wait3A_18 = tpu.memref_slice %arg2[%dma_wait3A, %dma_wait3A_17] : memref<10240x128xf32, #tpu.memory_space<hbm>> -> memref<10240x128xf32, #tpu.memory_space<hbm>>
      tpu.wait_indirect_dma semaphore(%arg10 : memref<!tpu.dma_semaphore, #tpu.memory_space<semaphore_mem>>) src(%dma_wait3A_18 : memref<10240x128xf32, #tpu.memory_space<hbm>>) dst(%arg8 : memref<80x128xf32, #tpu.memory_space<vmem>>)
      %dma_start3A_19 = arith.constant 0 : i32
      %dma_start3A_20 = arith.constant 0 : i32
      %dma_start3A_21 = tpu.memref_slice %arg9[%dma_start3A_19, %dma_start3A_20] : memref<10240x128xf32, #tpu.memory_space<vmem_shared>> -> memref<10240x128xf32, #tpu.memory_space<vmem_shared>>
      tpu.enqueue_indirect_dma source(%arg8 : memref<80x128xf32, #tpu.memory_space<vmem>>) target(%dma_start3A_21 : memref<10240x128xf32, #tpu.memory_space<vmem_shared>>) offsets(%arg7 : memref<80xi32, #tpu.memory_space<vmem>>) semaphore(%arg11 : memref<!tpu.dma_semaphore, #tpu.memory_space<semaphore_mem>>) {add = true}
      %dma_wait3A_22 = arith.constant 0 : i32
      %dma_wait3A_23 = arith.constant 0 : i32
      %dma_wait3A_24 = tpu.memref_slice %arg9[%dma_wait3A_22, %dma_wait3A_23] : memref<10240x128xf32, #tpu.memory_space<vmem_shared>> -> memref<10240x128xf32, #tpu.memory_space<vmem_shared>>
      tpu.wait_indirect_dma semaphore(%arg11 : memref<!tpu.dma_semaphore, #tpu.memory_space<semaphore_mem>>) src(%arg8 : memref<80x128xf32, #tpu.memory_space<vmem>>) dst(%dma_wait3A_24 : memref<10240x128xf32, #tpu.memory_space<vmem_shared>>)
    }
    %scan3A_7 = arith.constant 125 : i32
    %barrier3A_8 = arith.constant 0 : index
    tpu.barrier barrier_id(%barrier3A_8)
    "tpu.region"() ({
      %run_scoped3A = tpu.sem_alloc : memref<!tpu.dma_semaphore, #tpu.memory_space<semaphore_mem>>
      %dma_start3A = arith.constant 0 : i32
      %dma_start3A_9 = tpu.memref_slice %arg5[%arg0, %mul3A_2, %dma_start3A] : memref<2x10240x128xf32, #tpu.memory_space<hbm>> -> memref<1x640x128xf32, #tpu.memory_space<hbm>>
      %dma_start3A_10 = tpu.memref_squeeze %dma_start3A_9 : memref<1x640x128xf32, #tpu.memory_space<hbm>> -> memref<640x128xf32, #tpu.memory_space<hbm>>
      %dma_start3A_11 = arith.constant 0 : i32
      %dma_start3A_12 = tpu.memref_slice %arg9[%mul3A_2, %dma_start3A_11] : memref<10240x128xf32, #tpu.memory_space<vmem_shared>> -> memref<640x128xf32, #tpu.memory_space<vmem_shared>>
      tpu.enqueue_dma source(%dma_start3A_12 : memref<640x128xf32, #tpu.memory_space<vmem_shared>>) target(%dma_start3A_10 : memref<640x128xf32, #tpu.memory_space<hbm>>) target_semaphore(%run_scoped3A : memref<!tpu.dma_semaphore, #tpu.memory_space<semaphore_mem>>)
      %dma_wait3A = arith.constant 0 : i32
      %dma_wait3A_13 = tpu.memref_slice %arg5[%arg0, %mul3A_2, %dma_wait3A] : memref<2x10240x128xf32, #tpu.memory_space<hbm>> -> memref<1x640x128xf32, #tpu.memory_space<hbm>>
      %dma_wait3A_14 = tpu.memref_squeeze %dma_wait3A_13 : memref<1x640x128xf32, #tpu.memory_space<hbm>> -> memref<640x128xf32, #tpu.memory_space<hbm>>
      %dma_wait3A_15 = arith.constant 0 : i32
      %dma_wait3A_16 = tpu.memref_slice %arg9[%mul3A_2, %dma_wait3A_15] : memref<10240x128xf32, #tpu.memory_space<vmem_shared>> -> memref<640x128xf32, #tpu.memory_space<vmem_shared>>
      tpu.wait_dma2 semaphore(%run_scoped3A : memref<!tpu.dma_semaphore, #tpu.memory_space<semaphore_mem>>) src(%dma_wait3A_16 : memref<640x128xf32, #tpu.memory_space<vmem_shared>>) dst(%dma_wait3A_14 : memref<640x128xf32, #tpu.memory_space<hbm>>)
      tpu.yield
    }) : () -> ()
    return
  }
}

module attributes {stable_mosaic.version = 14 : i64} {
  func.func @body(%arg0: i32, %arg1: memref<2048x128xf32, #tpu.memory_space<vmem>>, %arg2: memref<128x128xf32, #tpu.memory_space<vmem>>, %arg3: memref<2048x1xf32, #tpu.memory_space<vmem>>, %arg4: memref<2048x1xf32, #tpu.memory_space<vmem>>, %arg5: memref<2048x128xf32, #tpu.memory_space<vmem>>, %arg6: memref<2048x1xf32, #tpu.memory_space<vmem>>) attributes {dimension_semantics = [#tpu.dimension_semantics<arbitrary>], iteration_bounds = array<i64: 5>, scalar_prefetch = 0 : i64, scratch_operands = 0 : i64, tpu.core_type = #tpu.core_type<tc>, window_params = [{transform_indices = @transform_0, window_bounds = array<i64: 2048, 128>}, {pipeline_mode = #tpu.pipeline_mode<synchronous>, transform_indices = @transform_1, window_bounds = array<i64: 128, 128>}, {transform_indices = @transform_2, window_bounds = array<i64: 2048, 1>}, {transform_indices = @transform_3, window_bounds = array<i64: 2048, 1>}, {transform_indices = @transform_4, window_bounds = array<i64: 2048, 128>}, {transform_indices = @transform_5, window_bounds = array<i64: 2048, 1>}]} {
    %get3A = arith.constant 0 : index
    %get3A_0 = arith.constant 0 : index
    %get3A_1 = vector.load %arg3[%get3A, %get3A_0] : memref<2048x1xf32, #tpu.memory_space<vmem>>, vector<2048x1xf32>
    %get3A_2 = arith.constant 0 : index
    %get3A_3 = arith.constant 0 : index
    %get3A_4 = vector.load %arg4[%get3A_2, %get3A_3] : memref<2048x1xf32, #tpu.memory_space<vmem>>, vector<2048x1xf32>
    %add3A = arith.addf %get3A_1, %get3A_4 : vector<2048x1xf32>
    %add3A_5 = arith.constant 1.000000e+00 : f32
    %add3A_6 = vector.broadcast %add3A_5 : f32 to vector<2048x1xf32>
    %add3A_7 = arith.addf %add3A, %add3A_6 : vector<2048x1xf32>
    %rsqrt3A = math.rsqrt %add3A_7 : vector<2048x1xf32>
    %swap3A = arith.constant 0 : index
    %swap3A_8 = arith.constant 0 : index
    %swap3A_9 = vector.load %arg6[%swap3A, %swap3A_8] : memref<2048x1xf32, #tpu.memory_space<vmem>>, vector<2048x1xf32>
    tpu.vector_store %arg6[%swap3A, %swap3A_8], %rsqrt3A {strides = array<i32>} : memref<2048x1xf32, #tpu.memory_space<vmem>>, vector<2048x1xf32>,
    %get3A_10 = arith.constant 0 : index
    %get3A_11 = arith.constant 0 : index
    %get3A_12 = vector.load %arg1[%get3A_10, %get3A_11] : memref<2048x128xf32, #tpu.memory_space<vmem>>, vector<2048x128xf32>
    %get3A_13 = arith.constant 0 : index
    %get3A_14 = arith.constant 0 : index
    %get3A_15 = vector.load %arg2[%get3A_13, %get3A_14] : memref<128x128xf32, #tpu.memory_space<vmem>>, vector<128x128xf32>
    %dot_general3A = arith.constant dense<0.000000e+00> : vector<2048x128xf32>
    %dot_general3A_16 = tpu.matmul %get3A_12, %get3A_15, %dot_general3A {dimension_numbers = #tpu.dot_dimension_numbers<[1], [0], [0], [1], [0, 0, 1, 1], [], []>, transpose_lhs_hint = false} : vector<2048x128xf32>, vector<128x128xf32>, vector<2048x128xf32> -> vector<2048x128xf32>
    %mul3A = vector.broadcast %rsqrt3A : vector<2048x1xf32> to vector<2048x128xf32>
    %mul3A_17 = arith.mulf %mul3A, %dot_general3A_16 : vector<2048x128xf32>
    %swap3A_18 = arith.constant 0 : index
    %swap3A_19 = arith.constant 0 : index
    %swap3A_20 = vector.load %arg5[%swap3A_18, %swap3A_19] : memref<2048x128xf32, #tpu.memory_space<vmem>>, vector<2048x128xf32>
    tpu.vector_store %arg5[%swap3A_18, %swap3A_19], %mul3A_17 {strides = array<i32>} : memref<2048x128xf32, #tpu.memory_space<vmem>>, vector<2048x128xf32>,
    return
  }
  func.func @transform_0(%arg0: i32) -> (i32, i32) {
    %c0_i32 = arith.constant 0 : i32
    %c0_i32_0 = arith.constant 0 : i32
    return %arg0, %c0_i32 : i32, i32
  }
  func.func @transform_1(%arg0: i32) -> (i32, i32) {
    %c0_i32 = arith.constant 0 : i32
    %c0_i32_0 = arith.constant 0 : i32
    %c0_i32_1 = arith.constant 0 : i32
    return %c0_i32, %c0_i32_0 : i32, i32
  }
  func.func @transform_2(%arg0: i32) -> (i32, i32) {
    %c0_i32 = arith.constant 0 : i32
    %c0_i32_0 = arith.constant 0 : i32
    return %arg0, %c0_i32 : i32, i32
  }
  func.func @transform_3(%arg0: i32) -> (i32, i32) {
    %c0_i32 = arith.constant 0 : i32
    %c0_i32_0 = arith.constant 0 : i32
    return %arg0, %c0_i32 : i32, i32
  }
  func.func @transform_4(%arg0: i32) -> (i32, i32) {
    %c0_i32 = arith.constant 0 : i32
    %c0_i32_0 = arith.constant 0 : i32
    return %arg0, %c0_i32 : i32, i32
  }
  func.func @transform_5(%arg0: i32) -> (i32, i32) {
    %c0_i32 = arith.constant 0 : i32
    %c0_i32_0 = arith.constant 0 : i32
    return %arg0, %c0_i32 : i32, i32
  }
}

module attributes {stable_mosaic.version = 14 : i64} {
  func.func @body(%arg0: i32, %arg1: memref<2048x128xf32, #tpu.memory_space<vmem>>, %arg2: memref<2048x128xf32, #tpu.memory_space<vmem>>, %arg3: memref<2048x128xf32, #tpu.memory_space<vmem>>, %arg4: memref<2048x1xf32, #tpu.memory_space<vmem>>, %arg5: memref<1x128xf32, #tpu.memory_space<vmem>>, %arg6: memref<128x128xf32, #tpu.memory_space<vmem>>, %arg7: memref<2048x128xf32, #tpu.memory_space<vmem>>) attributes {dimension_semantics = [#tpu.dimension_semantics<arbitrary>], iteration_bounds = array<i64: 5>, scalar_prefetch = 0 : i64, scratch_operands = 0 : i64, tpu.core_type = #tpu.core_type<tc>, window_params = [{transform_indices = @transform_0, window_bounds = array<i64: 2048, 128>}, {transform_indices = @transform_1, window_bounds = array<i64: 2048, 128>}, {transform_indices = @transform_2, window_bounds = array<i64: 2048, 128>}, {transform_indices = @transform_3, window_bounds = array<i64: 2048, 1>}, {pipeline_mode = #tpu.pipeline_mode<synchronous>, transform_indices = @transform_4, window_bounds = array<i64: 1, 128>}, {pipeline_mode = #tpu.pipeline_mode<synchronous>, transform_indices = @transform_5, window_bounds = array<i64: 128, 128>}, {transform_indices = @transform_6, window_bounds = array<i64: 2048, 128>}]} {
    %get3A = arith.constant 0 : index
    %get3A_0 = arith.constant 0 : index
    %get3A_1 = vector.load %arg4[%get3A, %get3A_0] : memref<2048x1xf32, #tpu.memory_space<vmem>>, vector<2048x1xf32>
    %get3A_2 = arith.constant 0 : index
    %get3A_3 = arith.constant 0 : index
    %get3A_4 = vector.load %arg1[%get3A_2, %get3A_3] : memref<2048x128xf32, #tpu.memory_space<vmem>>, vector<2048x128xf32>
    %get3A_5 = arith.constant 0 : index
    %get3A_6 = arith.constant 0 : index
    %get3A_7 = vector.load %arg2[%get3A_5, %get3A_6] : memref<2048x128xf32, #tpu.memory_space<vmem>>, vector<2048x128xf32>
    %add3A = arith.addf %get3A_4, %get3A_7 : vector<2048x128xf32>
    %get3A_8 = arith.constant 0 : index
    %get3A_9 = arith.constant 0 : index
    %get3A_10 = vector.load %arg3[%get3A_8, %get3A_9] : memref<2048x128xf32, #tpu.memory_space<vmem>>, vector<2048x128xf32>
    %sub3A = arith.subf %add3A, %get3A_10 : vector<2048x128xf32>
    %mul3A = vector.broadcast %get3A_1 : vector<2048x1xf32> to vector<2048x128xf32>
    %mul3A_11 = arith.mulf %mul3A, %sub3A : vector<2048x128xf32>
    %get3A_12 = arith.constant 0 : index
    %get3A_13 = arith.constant 0 : index
    %get3A_14 = vector.load %arg5[%get3A_12, %get3A_13] : memref<1x128xf32, #tpu.memory_space<vmem>>, vector<1x128xf32>
    %add3A_15 = vector.broadcast %get3A_14 : vector<1x128xf32> to vector<2048x128xf32>
    %add3A_16 = arith.addf %mul3A_11, %add3A_15 : vector<2048x128xf32>
    %max3A = arith.constant 0.000000e+00 : f32
    %max3A_17 = vector.broadcast %max3A : f32 to vector<2048x128xf32>
    %max3A_18 = arith.maximumf %add3A_16, %max3A_17 : vector<2048x128xf32>
    %get3A_19 = arith.constant 0 : index
    %get3A_20 = arith.constant 0 : index
    %get3A_21 = vector.load %arg6[%get3A_19, %get3A_20] : memref<128x128xf32, #tpu.memory_space<vmem>>, vector<128x128xf32>
    %dot_general3A = arith.constant dense<0.000000e+00> : vector<2048x128xf32>
    %dot_general3A_22 = tpu.matmul %max3A_18, %get3A_21, %dot_general3A {dimension_numbers = #tpu.dot_dimension_numbers<[1], [0], [0], [1], [0, 0, 1, 1], [], []>, transpose_lhs_hint = false} : vector<2048x128xf32>, vector<128x128xf32>, vector<2048x128xf32> -> vector<2048x128xf32>
    %mul3A_23 = vector.broadcast %get3A_1 : vector<2048x1xf32> to vector<2048x128xf32>
    %mul3A_24 = arith.mulf %mul3A_23, %dot_general3A_22 : vector<2048x128xf32>
    %swap3A = arith.constant 0 : index
    %swap3A_25 = arith.constant 0 : index
    %swap3A_26 = vector.load %arg7[%swap3A, %swap3A_25] : memref<2048x128xf32, #tpu.memory_space<vmem>>, vector<2048x128xf32>
    tpu.vector_store %arg7[%swap3A, %swap3A_25], %mul3A_24 {strides = array<i32>} : memref<2048x128xf32, #tpu.memory_space<vmem>>, vector<2048x128xf32>,
    return
  }
  func.func @transform_0(%arg0: i32) -> (i32, i32) {
    %c0_i32 = arith.constant 0 : i32
    %c0_i32_0 = arith.constant 0 : i32
    return %arg0, %c0_i32 : i32, i32
  }
  func.func @transform_1(%arg0: i32) -> (i32, i32) {
    %c0_i32 = arith.constant 0 : i32
    %c0_i32_0 = arith.constant 0 : i32
    return %arg0, %c0_i32 : i32, i32
  }
  func.func @transform_2(%arg0: i32) -> (i32, i32) {
    %c0_i32 = arith.constant 0 : i32
    %c0_i32_0 = arith.constant 0 : i32
    return %arg0, %c0_i32 : i32, i32
  }
  func.func @transform_3(%arg0: i32) -> (i32, i32) {
    %c0_i32 = arith.constant 0 : i32
    %c0_i32_0 = arith.constant 0 : i32
    return %arg0, %c0_i32 : i32, i32
  }
  func.func @transform_4(%arg0: i32) -> (i32, i32) {
    %c0_i32 = arith.constant 0 : i32
    %c0_i32_0 = arith.constant 0 : i32
    %c0_i32_1 = arith.constant 0 : i32
    return %c0_i32, %c0_i32_0 : i32, i32
  }
  func.func @transform_5(%arg0: i32) -> (i32, i32) {
    %c0_i32 = arith.constant 0 : i32
    %c0_i32_0 = arith.constant 0 : i32
    %c0_i32_1 = arith.constant 0 : i32
    return %c0_i32, %c0_i32_0 : i32, i32
  }
  func.func @transform_6(%arg0: i32) -> (i32, i32) {
    %c0_i32 = arith.constant 0 : i32
    %c0_i32_0 = arith.constant 0 : i32
    return %arg0, %c0_i32 : i32, i32
  }
}

module attributes {stable_mosaic.version = 14 : i64} {
  func.func @body(%arg0: i32, %arg1: memref<2000x128xf32, #tpu.memory_space<vmem>>, %arg2: memref<2000x128xf32, #tpu.memory_space<vmem>>, %arg3: memref<2000x128xf32, #tpu.memory_space<vmem>>, %arg4: memref<2000x1xf32, #tpu.memory_space<vmem>>, %arg5: memref<1x128xf32, #tpu.memory_space<vmem>>, %arg6: memref<128x40xf32, #tpu.memory_space<vmem>>, %arg7: memref<1x40xf32, #tpu.memory_space<vmem>>, %arg8: memref<2000x40xf32, #tpu.memory_space<vmem>>) attributes {dimension_semantics = [#tpu.dimension_semantics<arbitrary>], iteration_bounds = array<i64: 5>, scalar_prefetch = 0 : i64, scratch_operands = 0 : i64, tpu.core_type = #tpu.core_type<tc>, window_params = [{transform_indices = @transform_0, window_bounds = array<i64: 2000, 128>}, {transform_indices = @transform_1, window_bounds = array<i64: 2000, 128>}, {transform_indices = @transform_2, window_bounds = array<i64: 2000, 128>}, {transform_indices = @transform_3, window_bounds = array<i64: 2000, 1>}, {pipeline_mode = #tpu.pipeline_mode<synchronous>, transform_indices = @transform_4, window_bounds = array<i64: 1, 128>}, {pipeline_mode = #tpu.pipeline_mode<synchronous>, transform_indices = @transform_5, window_bounds = array<i64: 128, 40>}, {pipeline_mode = #tpu.pipeline_mode<synchronous>, transform_indices = @transform_6, window_bounds = array<i64: 1, 40>}, {transform_indices = @transform_7, window_bounds = array<i64: 2000, 40>}]} {
    %get3A = arith.constant 0 : index
    %get3A_0 = arith.constant 0 : index
    %get3A_1 = vector.load %arg4[%get3A, %get3A_0] : memref<2000x1xf32, #tpu.memory_space<vmem>>, vector<2000x1xf32>
    %get3A_2 = arith.constant 0 : index
    %get3A_3 = arith.constant 0 : index
    %get3A_4 = vector.load %arg1[%get3A_2, %get3A_3] : memref<2000x128xf32, #tpu.memory_space<vmem>>, vector<2000x128xf32>
    %get3A_5 = arith.constant 0 : index
    %get3A_6 = arith.constant 0 : index
    %get3A_7 = vector.load %arg2[%get3A_5, %get3A_6] : memref<2000x128xf32, #tpu.memory_space<vmem>>, vector<2000x128xf32>
    %add3A = arith.addf %get3A_4, %get3A_7 : vector<2000x128xf32>
    %get3A_8 = arith.constant 0 : index
    %get3A_9 = arith.constant 0 : index
    %get3A_10 = vector.load %arg3[%get3A_8, %get3A_9] : memref<2000x128xf32, #tpu.memory_space<vmem>>, vector<2000x128xf32>
    %sub3A = arith.subf %add3A, %get3A_10 : vector<2000x128xf32>
    %mul3A = vector.broadcast %get3A_1 : vector<2000x1xf32> to vector<2000x128xf32>
    %mul3A_11 = arith.mulf %mul3A, %sub3A : vector<2000x128xf32>
    %get3A_12 = arith.constant 0 : index
    %get3A_13 = arith.constant 0 : index
    %get3A_14 = vector.load %arg5[%get3A_12, %get3A_13] : memref<1x128xf32, #tpu.memory_space<vmem>>, vector<1x128xf32>
    %add3A_15 = vector.broadcast %get3A_14 : vector<1x128xf32> to vector<2000x128xf32>
    %add3A_16 = arith.addf %mul3A_11, %add3A_15 : vector<2000x128xf32>
    %max3A = arith.constant 0.000000e+00 : f32
    %max3A_17 = vector.broadcast %max3A : f32 to vector<2000x128xf32>
    %max3A_18 = arith.maximumf %add3A_16, %max3A_17 : vector<2000x128xf32>
    %get3A_19 = arith.constant 0 : index
    %get3A_20 = arith.constant 0 : index
    %get3A_21 = vector.load %arg6[%get3A_19, %get3A_20] : memref<128x40xf32, #tpu.memory_space<vmem>>, vector<128x40xf32>
    %dot_general3A = arith.constant dense<0.000000e+00> : vector<2000x40xf32>
    %dot_general3A_22 = tpu.matmul %max3A_18, %get3A_21, %dot_general3A {dimension_numbers = #tpu.dot_dimension_numbers<[1], [0], [0], [1], [0, 0, 1, 1], [], []>, transpose_lhs_hint = false} : vector<2000x128xf32>, vector<128x40xf32>, vector<2000x40xf32> -> vector<2000x40xf32>
    %get3A_23 = arith.constant 0 : index
    %get3A_24 = arith.constant 0 : index
    %get3A_25 = vector.load %arg7[%get3A_23, %get3A_24] : memref<1x40xf32, #tpu.memory_space<vmem>>, vector<1x40xf32>
    %add3A_26 = vector.broadcast %get3A_25 : vector<1x40xf32> to vector<2000x40xf32>
    %add3A_27 = arith.addf %dot_general3A_22, %add3A_26 : vector<2000x40xf32>
    %swap3A = arith.constant 0 : index
    %swap3A_28 = arith.constant 0 : index
    %swap3A_29 = vector.load %arg8[%swap3A, %swap3A_28] : memref<2000x40xf32, #tpu.memory_space<vmem>>, vector<2000x40xf32>
    tpu.vector_store %arg8[%swap3A, %swap3A_28], %add3A_27 {strides = array<i32>} : memref<2000x40xf32, #tpu.memory_space<vmem>>, vector<2000x40xf32>,
    return
  }
  func.func @transform_0(%arg0: i32) -> (i32, i32) {
    %c0_i32 = arith.constant 0 : i32
    %c0_i32_0 = arith.constant 0 : i32
    return %arg0, %c0_i32 : i32, i32
  }
  func.func @transform_1(%arg0: i32) -> (i32, i32) {
    %c0_i32 = arith.constant 0 : i32
    %c0_i32_0 = arith.constant 0 : i32
    return %arg0, %c0_i32 : i32, i32
  }
  func.func @transform_2(%arg0: i32) -> (i32, i32) {
    %c0_i32 = arith.constant 0 : i32
    %c0_i32_0 = arith.constant 0 : i32
    return %arg0, %c0_i32 : i32, i32
  }
  func.func @transform_3(%arg0: i32) -> (i32, i32) {
    %c0_i32 = arith.constant 0 : i32
    %c0_i32_0 = arith.constant 0 : i32
    return %arg0, %c0_i32 : i32, i32
  }
  func.func @transform_4(%arg0: i32) -> (i32, i32) {
    %c0_i32 = arith.constant 0 : i32
    %c0_i32_0 = arith.constant 0 : i32
    %c0_i32_1 = arith.constant 0 : i32
    return %c0_i32, %c0_i32_0 : i32, i32
  }
  func.func @transform_5(%arg0: i32) -> (i32, i32) {
    %c0_i32 = arith.constant 0 : i32
    %c0_i32_0 = arith.constant 0 : i32
    %c0_i32_1 = arith.constant 0 : i32
    return %c0_i32, %c0_i32_0 : i32, i32
  }
  func.func @transform_6(%arg0: i32) -> (i32, i32) {
    %c0_i32 = arith.constant 0 : i32
    %c0_i32_0 = arith.constant 0 : i32
    %c0_i32_1 = arith.constant 0 : i32
    return %c0_i32, %c0_i32_0 : i32, i32
  }
  func.func @transform_7(%arg0: i32) -> (i32, i32) {
    %c0_i32 = arith.constant 0 : i32
    %c0_i32_0 = arith.constant 0 : i32
    return %arg0, %c0_i32 : i32, i32
  }
}

</mosaic_0001>

<sc_bundles>
// kernel: kernel.11.cloned.1.call-start
scs
__scs_entry_jumppad:
0x0: {  	(pc) =	sbr.rel $0x88, $3  }
0x1: {  	(tag) =	ssettag $0x0;
	lr =	simm.s32 $0x1  }
0x2: {  	[smem:$0x3F99] =	sst lr;
	_ =	strace $0xD0000000  }
0x3: {  	_ = 	snop  }
0x4: {  	_ = 	snop  }
0x5: {  	_ = 	snop  }
0x6: {  	_ = 	snop  }
0x7: {  	_ = 	snop  }
__scs_overlays_trampoline_lowered:
0x8: {  	[smem:$0x3FA8] =	sst s0  }
0x9: {  	[smem:$0x3FA9] =	sst s1  }
0xa: {  	[smem:$0x3FAA] =	sst s2  }
0xb: {  	[smem:$0x3FAB] =	sst s3  }
0xc: {  	[smem:$0x3FAC] =	sst s4  }
0xd: {  	[smem:$0x3FAD] =	sst s5  }
0xe: {  	[smem:$0x3FAE] =	sst s6  }
0xf: {  	[smem:$0x3FAF] =	sst s7  }
0x10: {  	[smem:$0x3FB0] =	sst s8  }
0x11: {  	[smem:$0x3FB1] =	sst s9;
	s0 =	simm.s32 @!p0 $0x0  }
0x12: {  	s1 =	sld [smem:$0x3F97];
	s0 =	simm.s32 @p0 $0x1  }
0x13: {  	[smem:$0x3FB2] =	sst s0;
	s0 =	simm.s32 @!p1 $0x0  }
0x14: {  	s2 =	sld [smem:$0x3F96];
	s0 =	simm.s32 @p1 $0x1  }
0x15: {  	[smem:$0x3FB3] =	sst s0;
	s0 =	simm.s32 @!p2 $0x0  }
0x16: {  	s3 =	sld [smem:$0x3FDB];
	s0 =	simm.s32 @p2 $0x1  }
0x17: {  	s4 =	simm.s32 $0x1BF5;
	[smem:$0x3FB5] =	sst s0  }
0x18: {  	s0 =	sld [smem:$0x3F98];
	_ =	swait.ge [sflag:s4], $0x0  }
0x19: {  	s7 =	sld [smem:$0x3F99]  }
0x1a: {  	s8 =	sadd.s32 $0xFFFFE003, lr  }
0x1b: {  	s9 =	sadd.s32 $0xFFFFFEF7, lr;
	s5 =	simm.s32 $0xFFFFFFFF;
	p2 =	slt.u32 s8, $0xFFFFF086  }
0x1c: {  	p1 =	slt.u32 s9, $0xF7A;
	s5 =	simm.s32 @!p2 $0x0  }
0x1d: {  	s5 =	simm.s32 @p1 $0x1;
	p0 =	seq.s32 s7, s2  }
0x1e: {  	s7 =	smul.u32 @!p0 $0xF7A, s2;
	p2 =	seq.s32 @!p0 s5, $0x0  }
0x1f: {  	s9 =	smul.u32 $0xF7A, s1;
	s8 =	simm.s32 @!p0 $0x1BF5;
	p2 =	por !p2, p0  }
0x20: {  	[sflag:s8] =	ssyncset.s32 @!p0 $0xFFFFF086;
	s6 =	sadd.s32 @!p0 s3, s7;
	s7 =	simm.s32 @!p0 $0x108  }
0x21: {  	s3 =	sadd.s32 s3, s9;
	s6 =	sadd.s32 @!p0 $0x88, s6;
	s7 =	simm.s32 @p2 $0x1082  }
0x22: {  	[simem:s7], [sflag:s8] =	dma.local @!p0 [hbm:s6], $0xF7A  }
0x23: {  	s9 =	sor.u32 $0xD0000000, s2;
	s6 =	simm.s32 $0x108;
	_ =	swait.ge @!p0 [sflag:s8], $0x0  }
0x24: {  	s3 =	sadd.s32 $0x88, s3;
	s6 =	simm.s32 @!p1 $0x1082;
	[sflag:s4] =	ssyncset.s32 $0xFFFFF086  }
0x25: {  	[simem:s6], [sflag:s4] =	dma.local [hbm:s3], $0xF7A  }
0x26: {  	[smem:$0x3F99] =	sst s1;
	(tag) =	ssettag s2;
	_ =	strace s9  }
0x27: {  	s1 =	sld [smem:$0x3FA9]  }
0x28: {  	s2 =	sld [smem:$0x3FAA]  }
0x29: {  	s4 =	sld [smem:$0x3FAC]  }
0x2a: {  	p0 =	seq.s32 s5, $0x0;
	s5 =	sld [smem:$0x3FAD]  }
0x2b: {  	s6 =	sld [smem:$0x3FAE]  }
0x2c: {  	s7 =	sld [smem:$0x3FAF]  }
0x2d: {  	s3 =	simm.s32 $0x108;
	s8 =	sld [smem:$0x3FB0]  }
0x2e: {  	s3 =	simm.s32 @!p0 $0x1082;
	s9 =	sld [smem:$0x3FB1]  }
0x2f: {  	lr =	sadd.s32 s0, s3;
	s0 =	sld [smem:$0x3FA8]  }
0x30: {  	s3 =	sld [smem:$0x3FAB]  }
0x31: {  	[smem:$0x3FB4] =	sst s10  }
0x32: {  	s10 =	sld [smem:$0x3FB2];
	_ =	sdelay $0x3  }
0x33: {  	p0 =	seq.s32 s10, $0x1;
	s10 =	sld [smem:$0x3FB4];
	_ =	sdelay $0x3  }
0x34: {  	[smem:$0x3FB4] =	sst s10  }
0x35: {  	s10 =	sld [smem:$0x3FB3];
	_ =	sdelay $0x3  }
0x36: {  	p1 =	seq.s32 s10, $0x1;
	s10 =	sld [smem:$0x3FB4];
	_ =	sdelay $0x3  }
0x37: {  	[smem:$0x3FB4] =	sst s10  }
0x38: {  	s10 =	sld [smem:$0x3FB5]  }
0x39: {  	_ = 	snop;
	(pc) =	sbr.ind lr, $3  }
0x3a: {  	_ = 	snop  }
0x3b: {  	_ = 	snop  }
0x3c: {  	p2 =	seq.s32 s10, $0x1;
	s10 =	sld [smem:$0x3FB4]  }
0x3d: {  	_ =	shalt  }
0x3e: {  	_ =	shalt  }
0x3f: {  	_ =	shalt  }
0x40: {  	_ =	shalt  }
0x41: {  	_ =	shalt  }
0x42: {  	_ =	shalt  }
0x43: {  	_ =	shalt  }
0x44: {  	_ =	shalt  }
0x45: {  	_ =	shalt  }
0x46: {  	_ =	shalt  }
0x47: {  	_ =	shalt  }
0x48: {  	_ =	shalt  }
0x49: {  	_ =	shalt  }
0x4a: {  	_ =	shalt  }
0x4b: {  	_ =	shalt  }
0x4c: {  	_ =	shalt  }
0x4d: {  	_ =	shalt  }
0x4e: {  	_ =	shalt  }
0x4f: {  	_ =	shalt  }
0x50: {  	_ =	shalt  }
0x51: {  	_ =	shalt  }
0x52: {  	_ =	shalt  }
0x53: {  	_ =	shalt  }
0x54: {  	_ =	shalt  }
0x55: {  	_ =	shalt  }
0x56: {  	_ =	shalt  }
0x57: {  	_ =	shalt  }
0x58: {  	_ =	shalt  }
0x59: {  	_ =	shalt  }
0x5a: {  	_ =	shalt  }
0x5b: {  	_ =	shalt  }
0x5c: {  	_ =	shalt  }
0x5d: {  	_ =	shalt  }
0x5e: {  	_ =	shalt  }
0x5f: {  	_ =	shalt  }
0x60: {  	_ =	shalt  }
0x61: {  	_ =	shalt  }
0x62: {  	_ =	shalt  }
0x63: {  	_ =	shalt  }
0x64: {  	_ =	shalt  }
0x65: {  	_ =	shalt  }
0x66: {  	_ =	shalt  }
0x67: {  	_ =	shalt  }
0x68: {  	_ =	shalt  }
0x69: {  	_ =	shalt  }
0x6a: {  	_ =	shalt  }
0x6b: {  	_ =	shalt  }
0x6c: {  	_ =	shalt  }
0x6d: {  	_ =	shalt  }
0x6e: {  	_ =	shalt  }
0x6f: {  	_ =	shalt  }
0x70: {  	_ =	shalt  }
0x71: {  	_ =	shalt  }
0x72: {  	_ =	shalt  }
0x73: {  	_ =	shalt  }
0x74: {  	_ =	shalt  }
0x75: {  	_ =	shalt  }
0x76: {  	_ =	shalt  }
0x77: {  	_ =	shalt  }
0x78: {  	_ =	shalt  }
0x79: {  	_ =	shalt  }
0x7a: {  	_ =	shalt  }
0x7b: {  	_ =	shalt  }
0x7c: {  	_ =	shalt  }
0x7d: {  	_ =	shalt  }
0x7e: {  	_ =	shalt  }
0x7f: {  	_ =	shalt  }
0x80: {  	_ =	shalt  }
0x81: {  	_ =	shalt  }
0x82: {  	_ =	shalt  }
0x83: {  	_ =	shalt  }
0x84: {  	_ =	shalt  }
0x85: {  	_ =	shalt  }
0x86: {  	_ =	shalt  }
0x87: {  	_ =	shalt  }
.Lfunc_end0:
.L_simem_size_0:
called_computation.1_lowered:
.L_overlay_start_0:
0x88: {  	s2 =	sld [smem:$0x3FD9]  }
0x89: {  	s3 =	sld [smem:$0x3FFE];
	_ =	sdelay $0x1  }
0x8a: {  	s1 =	srdreg.scid  }
0x8b: {  	s0 =	sand.u32 $0x1, s1  }
0x8c: {  	s17 =	sshll.u32 s0, $0xA;
	s2 =	sadd.s32 s3, s2  }
0x8d: {  	s2 =	sadd.s32 s2, s17  }
0x8e: {  	[smem:$0x3FC0] =	sst s2  }
0x8f: {  	_ = 	snop  }
0x90: {  	s2 =	sld [smem:$0x3FD0];
	(tm) =	ssettm $0x1  }
0x91: {  	s18 =	sld [smem:$0x3FFB];
	_ =	sdelay $0x3  }
0x92: {  	_ =	strace s18  }
0x93: {  	s3 =	sld [smem:$0x3FFC];
	_ =	sdelay $0x3  }
0x94: {  	_ =	strace s3  }
0x95: {  	s3 =	sld [smem:$0x3FFD];
	_ =	sdelay $0x3  }
0x96: {  	_ =	strace s3  }
0x97: {  	_ =	strace $0x8FFFFFFF  }
0x98: {  	s19 =	sld [smem:$0x3FDB];
	_ =	sdelay $0x1  }
0x99: {  	s4 =	simm.s32 $_scs_section_size  }
0x9a: {  	s5 =	simm.s32 $_size__tile_overlayer_lowered;
	s6 =	simm.s32 $_tile_overlayer_lowered  }
0x9b: {  	s22 =	simm.s32 $0x1BFF;
	s21 =	sshll.u32 s6, $0x1;
	s3 =	sadd.s32 s4, s19  }
0x9c: {  	s7 =	simm.s32 $0x0;
	s20 =	sshll.u32 s5, $0x1;
	s5 =	sadd.s32 s21, s3  }
0x9d: {  	[timem:s7], [sflag:s22] =	dma.local [hbm:s5], s20  }
0x9e: {  	_ =	swait.ge [sflag:s22], s20  }
0x9f: {  	s4 =	ssub.s32 $0x0, s20;
	[sflag:s22] =	ssyncset.done $0x0  }
0xa0: {  	[sflag:s22] =	ssyncadd.s32 s4;
	_ =	sdelay $0x1  }
0xa1: {  	s23 =	simm.s32 $0x1B8B  }
0xa2: {  	_ =	swait.ge [sflag:s23], $0x1  }
0xa3: {  	[sflag:s23] =	ssyncset.done $0x0  }
0xa4: {  	s25 =	simm.s32 $0x1B8E;
	s24 =	sld [smem:$0x3FFE];
	[sflag:s23] =	ssyncadd.s32 $0xFFFFFFFF  }
0xa5: {  	s26 =	simm.s32 $execute0_lowered;
	[smem:$0x3FD2] =	sst s25  }
0xa6: {  	s5 =	sshll.u32 s26, $0x1;
	_ =	strace $0x80000049;
	[dreg:$0x1] =	wrdreg $0xFFFFFFFF  }
0xa7: {  	s28 =	simm.s32 $_size_execute0_lowered;
	s3 =	sadd.s32 s3, s5;
	[dreg:$0x0] =	wrdreg $0x0  }
0xa8: {  	s5 =	sshll.u32 s28, $0x1;
	[dreg:$0x2] =	wrdreg s3  }
0xa9: {  	[dreg:$0x3] =	wrdreg s5  }
0xaa: {  	[dreg:$0x4] =	wrdreg $0xC0  }
0xab: {  	_ =	task [dreg:s7], $0x5FFFF  }
0xac: {  	[dreg:$0x1] =	wrdreg $0xFFFFFFFF  }
0xad: {  	[dreg:$0x0] =	wrdreg $0x60  }
0xae: {  	[dreg:$0x2] =	wrdreg s24  }
0xaf: {  	[dreg:$0x3] =	wrdreg s2  }
0xb0: {  	[dreg:$0x4] =	wrdreg $0x29000  }
0xb1: {  	[dreg:$0x5] =	wrdreg $0x9  }
0xb2: {  	_ =	task.clear_ibuf [dreg:s7], $0x6FFFF;
	_ =	strace $0x90000049  }
0xb3: {  	s29 =	simm.s32 $0x9;
	_ =	strace $0x8000004B  }
0xb4: {  	_ =	swait.ge [sflag:s29], $0x1  }
0xb5: {  	[sflag:s29] =	ssyncadd.s32 $0xFFFFFFFF  }
0xb6: {  	_ =	strace $0x9000004B  }
0xb7: {  	_ =	sfence  }
0xb8: {  	s30 =	sld [smem:$0x0];
	_ =	sdelay $0x2  }
0xb9: {  	s31 =	sshll.u32 s1, $0xD;
	s1 =	sshrl.u32 s1, $0x2  }
0xba: {  	s3 =	sand.u32 $0x4000, s31;
	s1 =	sadd.s32 s1, s30  }
0xbb: {  	s0 =	sor.u32 s3, s0;
	s1 =	sshll.u32 s1, $0x11  }
0xbc: {  	s0 =	sor.u32 s1, s0  }
0xbd: {  	s0 =	sadd.s32 $0x8F2B, s0  }
0xbe: {  	[sflag:s0] =	ssyncadd.remote.s32 $0x1  }
0xbf: {  	_ =	sfence.sel $0xFFFF  }
0xc0: {  	[dreg:$0x0] =	wrdreg $0xFFFFFFFF;
	(pc) =	sbr.abs _section_cstart, $3  }
0xc1: {  	[dreg:$0x1] =	wrdreg $0xFFFFFFFF  }
0xc2: {  	_ =	task.clear_ibuf [dreg:s7], $0x2FFFF;
	_ =	strace $0x9FFFFFFF  }
0xc3: {  	(tm) =	ssettm $0x7FFFFFFF  }
tec
execute0_lowered:
.L_overlay_start_1:
0x0: {  	(tag) =	ssettag $0x1  }
0x1: {  	s5 =	rddreg [dreg:$0x0]  }
0x2: {  	s10 =	rddreg [dreg:$0x1]  }
0x3: {  	s0 =	srdreg.scid;
	s2 =	rddreg [dreg:$0x2]  }
0x4: {  	s1 =	rddreg [dreg:$0x3];
	s3 =	simm.s32 $0x0;
	s6 =	sand.u32 $0x1, s0  }
0x5: {  	s14 =	simm.s32 $0x50;
	s0 =	stileid.u32;
	s7 =	smul.u32 $0x27100, s6  }
0x6: {  	s15 =	simm.s32 $0x100;
	s16 =	simm.s32 $0x1;
	s8 =	smul.u32 $0x2710, s0  }
0x7: {  	s17 =	simm.s32 $0x2;
	s18 =	simm.s32 $0x0;
	s9 =	smul.u32 $0x14000, s0  }
0x8: {  	[smem:$0x7FF] =	sst s3;
	s4 =	sadd.s32 $0xD000, s5;
	s11 =	smul.u32 $0x140000, s6  }
0x9: {  	_ =	strace $0x8000004A;
	s6 =	ssub.s32 $0x2, s6;
	s28 =	smul.u32 $0x50000, s0  }
0xa: {  	s31 =	sshll.u32 s0, $0x6;
	s26 =	sshrl.u32 s6, $0x1;
	s7 =	sadd.s32 s8, s7  }
0xb: {  	s25 =	sadd.s32 s9, s11;
	s8 =	ssub.s32 s6, s26;
	s29 =	sshrl.u32 s28, $0x2  }
0xc: {  	s30 =	sshrl.u32 s9, $0x3;
	s6 =	sor.u32 $0x1C03, s31;
	s12 =	sshrl.u32 s7, $0x3  }
0xd: {  	s7 =	sshrl.u32 s25, $0x3;
	s11 =	sadd.s32 s29, s2;
	s8 =	smax.u32 s8, $0x1  }
0xe: {  	s13 =	sadd.s32 s12, s5;
	s7 =	sadd.s32 s7, s5;
	s5 =	sadd.s32 s4, s30  }
0xf: {  	s10 =	sadd.s32 s12, s10;
	s11 =	sshrl.u32 s11, $0x3;
	s12 =	simm.s32 $0x3  }
0x10: {  	s7 =	sadd.s32 $0x5D000, s7;
	s9 =	sadd.s32 $0x3200, s13;
	s13 =	simm.s32 $0x80  }
.LBB2_1:
0x11: {  	[spmem:s11], [sflag:s6] =	dma.local [hbm:s5], $0x2800  }
0x12: {  	_ =	swait.ge [sflag:s12], $0x2800  }
0x13: {  	[sflag:s12] =	ssyncset.done $0x0  }
0x14: {  	[sflag:s12] =	ssyncadd.s32 $0xFFFFD800  }
0x15: {  	s19 =	sadd.s32 $0x0, s10;
	[bflag:$0x0] =	sbarrier.arrive $0xFFFF  }
0x16: {  	[tilespmem:s3], [sflag:$0x3] =	stream.linear.gather [hbm4b:s19+s3], $0x50, $0x38;
	[tilespmem:$0x16900] =	vst v63  }
0x17: {  	_ =	swait.ge [sflag:s12], $0x50  }
0x18: {  	[sflag:s12] =	ssyncset.done $0x0  }
0x19: {  	s31 =	sadd.s32 $0x0, s9;
	[sflag:s12] =	ssyncadd.s32 $0xFFFFFFB0  }
0x1a: {  	[tilespmem:s13], [sflag:$0x3] =	stream.linear.gather [hbm4b:s31+s3], $0x50, $0x38;
	[tilespmem:$0x16900] =	vst v63  }
0x1b: {  	_ =	swait.ge [sflag:s12], $0x50  }
0x1c: {  	[sflag:s12] =	ssyncset.done $0x0  }
0x1d: {  	[sflag:s12] =	ssyncadd.s32 $0xFFFFFFB0  }
0x1e: {  	[tilespmem:s15], [sflag:$0x1] =	stream.indirect.gather [hbm4b:s4+s14], $0x80, s3, s14, $0xb8;
	[tilespmem:$0x16900] =	vst v63  }
0x1f: {  	_ =	swait.ge [sflag:s16], $0x2800  }
0x20: {  	[sflag:s16] =	ssyncset.done $0x0  }
0x21: {  	[sflag:s16] =	ssyncadd.s32 $0xFFFFD800  }
0x22: {  	[spmem:s2] =	stream.indirect.scatter.add.f32 [tilespmem:s15], [sflag:$0x2], $0x80, s13, s14, $0xb8;
	[tilespmem:$0x16900] =	vst v63  }
0x23: {  	_ =	swait.ge [sflag:s17], $0x2800  }
0x24: {  	s20 =	simm.s32 $0x14;
	s19 =	simm.s32 $0xA;
	[sflag:s17] =	ssyncset.done $0x0  }
.LBB2_2:
0x25: {  	s21 =	sadd.s32 s19, s10  }
0x26: {  	[sflag:s17] =	ssyncadd.s32 $0xFFFFD800;
	s22 =	smov.u32 s20;
	s23 =	sadd.s32 $0xA, s20  }
0x27: {  	[tilespmem:s3], [sflag:$0x3] =	stream.linear.gather [hbm4b:s21+s3], $0x50, $0x38;
	[tilespmem:$0x16900] =	vst v63  }
0x28: {  	p0 =	sne.s32 s20, $0x4D8;
	_ =	swait.ge [sflag:s12], $0x50  }
0x29: {  	[sflag:s12] =	ssyncset.done $0x0  }
0x2a: {  	s20 =	sadd.s32 s19, s9;
	s19 =	smov.u32 s22;
	[sflag:s12] =	ssyncadd.s32 $0xFFFFFFB0  }
0x2b: {  	[tilespmem:s13], [sflag:$0x3] =	stream.linear.gather [hbm4b:s20+s3], $0x50, $0x38;
	[tilespmem:$0x16900] =	vst v63  }
0x2c: {  	_ =	swait.ge [sflag:s12], $0x50  }
0x2d: {  	[sflag:s12] =	ssyncset.done $0x0  }
0x2e: {  	[sflag:s12] =	ssyncadd.s32 $0xFFFFFFB0  }
0x2f: {  	[tilespmem:s15], [sflag:$0x1] =	stream.indirect.gather [hbm4b:s4+s14], $0x80, s3, s14, $0xb8;
	[tilespmem:$0x16900] =	vst v63  }
0x30: {  	_ =	swait.ge [sflag:s16], $0x2800  }
.Ltmp0:
0x31: {  	[sflag:s16] =	ssyncset.done $0x0;
	(pc) =	sbr.rel @p0 .LBB2_2-.Ltmp0, $4  }
0x32: {  	[sflag:s16] =	ssyncadd.s32 $0xFFFFD800  }
0x33: {  	[spmem:s2] =	stream.indirect.scatter.add.f32 [tilespmem:s15], [sflag:$0x2], $0x80, s13, s14, $0xb8;
	[tilespmem:$0x16900] =	vst v63  }
0x34: {  	_ =	swait.ge [sflag:s17], $0x2800  }
0x35: {  	s20 =	smov.u32 s23;
	[sflag:s17] =	ssyncset.done $0x0  }
0x36: {  	s20 =	sadd.s32 s19, s10;
	[sflag:s17] =	ssyncadd.s32 $0xFFFFD800  }
0x37: {  	[tilespmem:s3], [sflag:$0x3] =	stream.linear.gather [hbm4b:s20+s3], $0x50, $0x38;
	[tilespmem:$0x16900] =	vst v63  }
0x38: {  	_ =	swait.ge [sflag:s12], $0x50  }
0x39: {  	[sflag:s12] =	ssyncset.done $0x0  }
0x3a: {  	s31 =	sadd.s32 s19, s9;
	[sflag:s12] =	ssyncadd.s32 $0xFFFFFFB0  }
0x3b: {  	[tilespmem:s13], [sflag:$0x3] =	stream.linear.gather [hbm4b:s31+s3], $0x50, $0x38;
	[tilespmem:$0x16900] =	vst v63  }
0x3c: {  	_ =	swait.ge [sflag:s12], $0x50  }
0x3d: {  	[sflag:s12] =	ssyncset.done $0x0  }
0x3e: {  	[sflag:s12] =	ssyncadd.s32 $0xFFFFFFB0  }
0x3f: {  	[tilespmem:s15], [sflag:$0x1] =	stream.indirect.gather [hbm4b:s4+s14], $0x80, s3, s14, $0xb8;
	[tilespmem:$0x16900] =	vst v63  }
0x40: {  	_ =	swait.ge [sflag:s16], $0x2800  }
0x41: {  	[sflag:s16] =	ssyncset.done $0x0  }
0x42: {  	[sflag:s16] =	ssyncadd.s32 $0xFFFFD800  }
0x43: {  	[spmem:s2] =	stream.indirect.scatter.add.f32 [tilespmem:s15], [sflag:$0x2], $0x80, s13, s14, $0xb8;
	[tilespmem:$0x16900] =	vst v63  }
0x44: {  	_ =	swait.ge [sflag:s17], $0x2800  }
0x45: {  	s18 =	sadd.s32 $0x1, s18;
	[sflag:s17] =	ssyncset.done $0x0  }
0x46: {  	p0 =	sne.s32 s18, s8;
	[sflag:s17] =	ssyncadd.s32 $0xFFFFD800  }
.Ltmp1:
0x47: {  	[bflag:$0x0] =	sbarrier.arrive $0xFFFF;
	(pc) =	sbr.rel @p0 .LBB2_1-.Ltmp1, $4  }
0x48: {  	[hbm:s7], [sflag:s6] =	dma.local [spmem:s11], $0x2800  }
0x49: {  	_ =	swait.ge [sflag:s12], $0x2800  }
0x4a: {  	[sflag:s12] =	ssyncset.done $0x0  }
0x4b: {  	[sflag:s12] =	ssyncadd.s32 $0xFFFFD800  }
0x4c: {  	_ =	sfence.sel $0x180000  }
0x4d: {  	[bflag:$0x0] =	sbarrier.arrive $0xFFFF  }
0x4e: {  	p0 =	sne.s32 s0, $0x0;
	_ =	strace $0x9000004A  }
0x4f: {  	s0 =	sadd.s32 @!p0 $0x100000, s1;
	[bflag:$0x2] =	sbarrier.arrive $0xFFFF  }
0x50: {  	[sflag:s0] =	ssyncadd.tile.s32 @!p0 $0x1;
	_ =	shalt  }
.Lfunc_end2:
_tile_overlayer_lowered:
.L_overlay_start_2:
0x51: {  	(tag) =	ssettag $0x2  }
0x52: {  	s0 =	rddreg [dreg:$0x0];
	s2 =	stileid.u32  }
0x53: {  	s1 =	rddreg [dreg:$0x1];
	p0 =	sne.s32 s2, $0x0  }
0x54: {  	s3 =	rddreg [dreg:$0x2];
	[bflag:$0x3] =	sbarrier.arrive $0xFFFF;
	s2 =	simm.s32 @!p0 $0x1C03  }
0x55: {  	[timem:s3], [sflag:s2] =	dma.local @!p0 [hbm:s0], s1  }
0x56: {  	s0 =	simm.s32 @!p0 $0x3  }
0x57: {  	_ =	swait.ge @!p0 [sflag:s0], s1  }
0x58: {  	s1 =	ssub.s32 @!p0 $0x0, s1;
	[sflag:s0] =	ssyncset.done @!p0 $0x0  }
0x59: {  	[sflag:s0] =	ssyncadd.s32 @!p0 s1  }
0x5a: {  	[bflag:$0x3] =	sbarrier.arrive $0xFFFF  }
0x5b: {  	_ =	shalt  }

// kernel: kernel.14.cloned.1.call-start
scs
__scs_entry_jumppad:
0x0: {  	(pc) =	sbr.rel $0x88, $3  }
0x1: {  	(tag) =	ssettag $0x0;
	lr =	simm.s32 $0x1  }
0x2: {  	[smem:$0x3F99] =	sst lr;
	_ =	strace $0xD0000000  }
0x3: {  	_ = 	snop  }
0x4: {  	_ = 	snop  }
0x5: {  	_ = 	snop  }
0x6: {  	_ = 	snop  }
0x7: {  	_ = 	snop  }
__scs_overlays_trampoline_lowered:
0x8: {  	[smem:$0x3FA8] =	sst s0  }
0x9: {  	[smem:$0x3FA9] =	sst s1  }
0xa: {  	[smem:$0x3FAA] =	sst s2  }
0xb: {  	[smem:$0x3FAB] =	sst s3  }
0xc: {  	[smem:$0x3FAC] =	sst s4  }
0xd: {  	[smem:$0x3FAD] =	sst s5  }
0xe: {  	[smem:$0x3FAE] =	sst s6  }
0xf: {  	[smem:$0x3FAF] =	sst s7  }
0x10: {  	[smem:$0x3FB0] =	sst s8  }
0x11: {  	[smem:$0x3FB1] =	sst s9;
	s0 =	simm.s32 @!p0 $0x0  }
0x12: {  	s1 =	sld [smem:$0x3F97];
	s0 =	simm.s32 @p0 $0x1  }
0x13: {  	[smem:$0x3FB2] =	sst s0;
	s0 =	simm.s32 @!p1 $0x0  }
0x14: {  	s2 =	sld [smem:$0x3F96];
	s0 =	simm.s32 @p1 $0x1  }
0x15: {  	[smem:$0x3FB3] =	sst s0;
	s0 =	simm.s32 @!p2 $0x0  }
0x16: {  	s3 =	sld [smem:$0x3FDB];
	s0 =	simm.s32 @p2 $0x1  }
0x17: {  	s4 =	simm.s32 $0x1BF5;
	[smem:$0x3FB5] =	sst s0  }
0x18: {  	s0 =	sld [smem:$0x3F98];
	_ =	swait.ge [sflag:s4], $0x0  }
0x19: {  	s7 =	sld [smem:$0x3F99]  }
0x1a: {  	s8 =	sadd.s32 $0xFFFFE003, lr  }
0x1b: {  	s9 =	sadd.s32 $0xFFFFFEF7, lr;
	s5 =	simm.s32 $0xFFFFFFFF;
	p2 =	slt.u32 s8, $0xFFFFF086  }
0x1c: {  	p1 =	slt.u32 s9, $0xF7A;
	s5 =	simm.s32 @!p2 $0x0  }
0x1d: {  	s5 =	simm.s32 @p1 $0x1;
	p0 =	seq.s32 s7, s2  }
0x1e: {  	s7 =	smul.u32 @!p0 $0xF7A, s2;
	p2 =	seq.s32 @!p0 s5, $0x0  }
0x1f: {  	s9 =	smul.u32 $0xF7A, s1;
	s8 =	simm.s32 @!p0 $0x1BF5;
	p2 =	por !p2, p0  }
0x20: {  	[sflag:s8] =	ssyncset.s32 @!p0 $0xFFFFF086;
	s6 =	sadd.s32 @!p0 s3, s7;
	s7 =	simm.s32 @!p0 $0x108  }
0x21: {  	s3 =	sadd.s32 s3, s9;
	s6 =	sadd.s32 @!p0 $0x88, s6;
	s7 =	simm.s32 @p2 $0x1082  }
0x22: {  	[simem:s7], [sflag:s8] =	dma.local @!p0 [hbm:s6], $0xF7A  }
0x23: {  	s9 =	sor.u32 $0xD0000000, s2;
	s6 =	simm.s32 $0x108;
	_ =	swait.ge @!p0 [sflag:s8], $0x0  }
0x24: {  	s3 =	sadd.s32 $0x88, s3;
	s6 =	simm.s32 @!p1 $0x1082;
	[sflag:s4] =	ssyncset.s32 $0xFFFFF086  }
0x25: {  	[simem:s6], [sflag:s4] =	dma.local [hbm:s3], $0xF7A  }
0x26: {  	[smem:$0x3F99] =	sst s1;
	(tag) =	ssettag s2;
	_ =	strace s9  }
0x27: {  	s1 =	sld [smem:$0x3FA9]  }
0x28: {  	s2 =	sld [smem:$0x3FAA]  }
0x29: {  	s4 =	sld [smem:$0x3FAC]  }
0x2a: {  	p0 =	seq.s32 s5, $0x0;
	s5 =	sld [smem:$0x3FAD]  }
0x2b: {  	s6 =	sld [smem:$0x3FAE]  }
0x2c: {  	s7 =	sld [smem:$0x3FAF]  }
0x2d: {  	s3 =	simm.s32 $0x108;
	s8 =	sld [smem:$0x3FB0]  }
0x2e: {  	s3 =	simm.s32 @!p0 $0x1082;
	s9 =	sld [smem:$0x3FB1]  }
0x2f: {  	lr =	sadd.s32 s0, s3;
	s0 =	sld [smem:$0x3FA8]  }
0x30: {  	s3 =	sld [smem:$0x3FAB]  }
0x31: {  	[smem:$0x3FB4] =	sst s10  }
0x32: {  	s10 =	sld [smem:$0x3FB2];
	_ =	sdelay $0x3  }
0x33: {  	p0 =	seq.s32 s10, $0x1;
	s10 =	sld [smem:$0x3FB4];
	_ =	sdelay $0x3  }
0x34: {  	[smem:$0x3FB4] =	sst s10  }
0x35: {  	s10 =	sld [smem:$0x3FB3];
	_ =	sdelay $0x3  }
0x36: {  	p1 =	seq.s32 s10, $0x1;
	s10 =	sld [smem:$0x3FB4];
	_ =	sdelay $0x3  }
0x37: {  	[smem:$0x3FB4] =	sst s10  }
0x38: {  	s10 =	sld [smem:$0x3FB5]  }
0x39: {  	_ = 	snop;
	(pc) =	sbr.ind lr, $3  }
0x3a: {  	_ = 	snop  }
0x3b: {  	_ = 	snop  }
0x3c: {  	p2 =	seq.s32 s10, $0x1;
	s10 =	sld [smem:$0x3FB4]  }
0x3d: {  	_ =	shalt  }
0x3e: {  	_ =	shalt  }
0x3f: {  	_ =	shalt  }
0x40: {  	_ =	shalt  }
0x41: {  	_ =	shalt  }
0x42: {  	_ =	shalt  }
0x43: {  	_ =	shalt  }
0x44: {  	_ =	shalt  }
0x45: {  	_ =	shalt  }
0x46: {  	_ =	shalt  }
0x47: {  	_ =	shalt  }
0x48: {  	_ =	shalt  }
0x49: {  	_ =	shalt  }
0x4a: {  	_ =	shalt  }
0x4b: {  	_ =	shalt  }
0x4c: {  	_ =	shalt  }
0x4d: {  	_ =	shalt  }
0x4e: {  	_ =	shalt  }
0x4f: {  	_ =	shalt  }
0x50: {  	_ =	shalt  }
0x51: {  	_ =	shalt  }
0x52: {  	_ =	shalt  }
0x53: {  	_ =	shalt  }
0x54: {  	_ =	shalt  }
0x55: {  	_ =	shalt  }
0x56: {  	_ =	shalt  }
0x57: {  	_ =	shalt  }
0x58: {  	_ =	shalt  }
0x59: {  	_ =	shalt  }
0x5a: {  	_ =	shalt  }
0x5b: {  	_ =	shalt  }
0x5c: {  	_ =	shalt  }
0x5d: {  	_ =	shalt  }
0x5e: {  	_ =	shalt  }
0x5f: {  	_ =	shalt  }
0x60: {  	_ =	shalt  }
0x61: {  	_ =	shalt  }
0x62: {  	_ =	shalt  }
0x63: {  	_ =	shalt  }
0x64: {  	_ =	shalt  }
0x65: {  	_ =	shalt  }
0x66: {  	_ =	shalt  }
0x67: {  	_ =	shalt  }
0x68: {  	_ =	shalt  }
0x69: {  	_ =	shalt  }
0x6a: {  	_ =	shalt  }
0x6b: {  	_ =	shalt  }
0x6c: {  	_ =	shalt  }
0x6d: {  	_ =	shalt  }
0x6e: {  	_ =	shalt  }
0x6f: {  	_ =	shalt  }
0x70: {  	_ =	shalt  }
0x71: {  	_ =	shalt  }
0x72: {  	_ =	shalt  }
0x73: {  	_ =	shalt  }
0x74: {  	_ =	shalt  }
0x75: {  	_ =	shalt  }
0x76: {  	_ =	shalt  }
0x77: {  	_ =	shalt  }
0x78: {  	_ =	shalt  }
0x79: {  	_ =	shalt  }
0x7a: {  	_ =	shalt  }
0x7b: {  	_ =	shalt  }
0x7c: {  	_ =	shalt  }
0x7d: {  	_ =	shalt  }
0x7e: {  	_ =	shalt  }
0x7f: {  	_ =	shalt  }
0x80: {  	_ =	shalt  }
0x81: {  	_ =	shalt  }
0x82: {  	_ =	shalt  }
0x83: {  	_ =	shalt  }
0x84: {  	_ =	shalt  }
0x85: {  	_ =	shalt  }
0x86: {  	_ =	shalt  }
0x87: {  	_ =	shalt  }
.Lfunc_end0:
.L_simem_size_0:
called_computation.2_lowered:
.L_overlay_start_0:
0x88: {  	s2 =	sld [smem:$0x3FD9]  }
0x89: {  	s3 =	sld [smem:$0x3FFE];
	_ =	sdelay $0x1  }
0x8a: {  	s1 =	srdreg.scid  }
0x8b: {  	s0 =	sand.u32 $0x1, s1  }
0x8c: {  	s17 =	sshll.u32 s0, $0xA;
	s2 =	sadd.s32 s3, s2  }
0x8d: {  	s2 =	sadd.s32 s2, s17  }
0x8e: {  	[smem:$0x3FC0] =	sst s2  }
0x8f: {  	_ = 	snop  }
0x90: {  	s2 =	sld [smem:$0x3FD0];
	(tm) =	ssettm $0x1  }
0x91: {  	s18 =	sld [smem:$0x3FFB];
	_ =	sdelay $0x3  }
0x92: {  	_ =	strace s18  }
0x93: {  	s3 =	sld [smem:$0x3FFC];
	_ =	sdelay $0x3  }
0x94: {  	_ =	strace s3  }
0x95: {  	s3 =	sld [smem:$0x3FFD];
	_ =	sdelay $0x3  }
0x96: {  	_ =	strace s3  }
0x97: {  	_ =	strace $0x8FFFFFFF  }
0x98: {  	s19 =	sld [smem:$0x3FDB];
	_ =	sdelay $0x1  }
0x99: {  	s4 =	simm.s32 $_scs_section_size  }
0x9a: {  	s5 =	simm.s32 $_size__tile_overlayer_lowered;
	s6 =	simm.s32 $_tile_overlayer_lowered  }
0x9b: {  	s22 =	simm.s32 $0x1BFF;
	s21 =	sshll.u32 s6, $0x1;
	s3 =	sadd.s32 s4, s19  }
0x9c: {  	s7 =	simm.s32 $0x0;
	s20 =	sshll.u32 s5, $0x1;
	s5 =	sadd.s32 s21, s3  }
0x9d: {  	[timem:s7], [sflag:s22] =	dma.local [hbm:s5], s20  }
0x9e: {  	_ =	swait.ge [sflag:s22], s20  }
0x9f: {  	s4 =	ssub.s32 $0x0, s20;
	[sflag:s22] =	ssyncset.done $0x0  }
0xa0: {  	[sflag:s22] =	ssyncadd.s32 s4;
	_ =	sdelay $0x1  }
0xa1: {  	s23 =	simm.s32 $0x1B8B  }
0xa2: {  	_ =	swait.ge [sflag:s23], $0x1  }
0xa3: {  	[sflag:s23] =	ssyncset.done $0x0  }
0xa4: {  	s25 =	simm.s32 $0x1B8E;
	s24 =	sld [smem:$0x3FFE];
	[sflag:s23] =	ssyncadd.s32 $0xFFFFFFFF  }
0xa5: {  	s26 =	simm.s32 $execute0_lowered;
	[smem:$0x3FD2] =	sst s25  }
0xa6: {  	s5 =	sshll.u32 s26, $0x1;
	_ =	strace $0x8000004C;
	[dreg:$0x1] =	wrdreg $0xFFFFFFFF  }
0xa7: {  	s28 =	simm.s32 $_size_execute0_lowered;
	s3 =	sadd.s32 s3, s5;
	[dreg:$0x0] =	wrdreg $0x0  }
0xa8: {  	s5 =	sshll.u32 s28, $0x1;
	[dreg:$0x2] =	wrdreg s3  }
0xa9: {  	[dreg:$0x3] =	wrdreg s5  }
0xaa: {  	[dreg:$0x4] =	wrdreg $0xC0  }
0xab: {  	_ =	task [dreg:s7], $0x5FFFF  }
0xac: {  	[dreg:$0x1] =	wrdreg $0xFFFFFFFF  }
0xad: {  	[dreg:$0x0] =	wrdreg $0x60  }
0xae: {  	[dreg:$0x2] =	wrdreg s24  }
0xaf: {  	[dreg:$0x3] =	wrdreg s2  }
0xb0: {  	[dreg:$0x4] =	wrdreg $0x29000  }
0xb1: {  	[dreg:$0x5] =	wrdreg $0x9  }
0xb2: {  	_ =	task.clear_ibuf [dreg:s7], $0x6FFFF;
	_ =	strace $0x9000004C  }
0xb3: {  	s29 =	simm.s32 $0x9;
	_ =	strace $0x8000004E  }
0xb4: {  	_ =	swait.ge [sflag:s29], $0x1  }
0xb5: {  	[sflag:s29] =	ssyncadd.s32 $0xFFFFFFFF  }
0xb6: {  	_ =	strace $0x9000004E  }
0xb7: {  	_ =	sfence  }
0xb8: {  	s30 =	sld [smem:$0x0];
	_ =	sdelay $0x2  }
0xb9: {  	s31 =	sshll.u32 s1, $0xD;
	s1 =	sshrl.u32 s1, $0x2  }
0xba: {  	s3 =	sand.u32 $0x4000, s31;
	s1 =	sadd.s32 s1, s30  }
0xbb: {  	s0 =	sor.u32 s3, s0;
	s1 =	sshll.u32 s1, $0x11  }
0xbc: {  	s0 =	sor.u32 s1, s0  }
0xbd: {  	s0 =	sadd.s32 $0x8F2B, s0  }
0xbe: {  	[sflag:s0] =	ssyncadd.remote.s32 $0x1  }
0xbf: {  	_ =	sfence.sel $0xFFFF  }
0xc0: {  	[dreg:$0x0] =	wrdreg $0xFFFFFFFF;
	(pc) =	sbr.abs _section_cstart, $3  }
0xc1: {  	[dreg:$0x1] =	wrdreg $0xFFFFFFFF  }
0xc2: {  	_ =	task.clear_ibuf [dreg:s7], $0x2FFFF;
	_ =	strace $0x9FFFFFFF  }
0xc3: {  	(tm) =	ssettm $0x7FFFFFFF  }
tec
execute0_lowered:
.L_overlay_start_1:
0x0: {  	(tag) =	ssettag $0x1  }
0x1: {  	s5 =	rddreg [dreg:$0x0]  }
0x2: {  	s10 =	rddreg [dreg:$0x1]  }
0x3: {  	s0 =	srdreg.scid;
	s2 =	rddreg [dreg:$0x2]  }
0x4: {  	s1 =	rddreg [dreg:$0x3];
	s3 =	simm.s32 $0x0;
	s6 =	sand.u32 $0x1, s0  }
0x5: {  	s14 =	simm.s32 $0x50;
	s0 =	stileid.u32;
	s7 =	smul.u32 $0x27100, s6  }
0x6: {  	s15 =	simm.s32 $0x100;
	s16 =	simm.s32 $0x1;
	s8 =	smul.u32 $0x2710, s0  }
0x7: {  	s17 =	simm.s32 $0x2;
	s18 =	simm.s32 $0x0;
	s9 =	smul.u32 $0x14000, s0  }
0x8: {  	[smem:$0x7FF] =	sst s3;
	s4 =	sadd.s32 $0xD000, s5;
	s11 =	smul.u32 $0x140000, s6  }
0x9: {  	_ =	strace $0x8000004D;
	s6 =	ssub.s32 $0x2, s6;
	s28 =	smul.u32 $0x50000, s0  }
0xa: {  	s31 =	sshll.u32 s0, $0x6;
	s26 =	sshrl.u32 s6, $0x1;
	s7 =	sadd.s32 s8, s7  }
0xb: {  	s25 =	sadd.s32 s9, s11;
	s8 =	ssub.s32 s6, s26;
	s29 =	sshrl.u32 s28, $0x2  }
0xc: {  	s30 =	sshrl.u32 s9, $0x3;
	s6 =	sor.u32 $0x1C03, s31;
	s12 =	sshrl.u32 s7, $0x3  }
0xd: {  	s7 =	sshrl.u32 s25, $0x3;
	s11 =	sadd.s32 s29, s2;
	s8 =	smax.u32 s8, $0x1  }
0xe: {  	s13 =	sadd.s32 s12, s5;
	s7 =	sadd.s32 s7, s5;
	s5 =	sadd.s32 s4, s30  }
0xf: {  	s10 =	sadd.s32 s12, s10;
	s11 =	sshrl.u32 s11, $0x3;
	s12 =	simm.s32 $0x3  }
0x10: {  	s7 =	sadd.s32 $0x5D000, s7;
	s9 =	sadd.s32 $0x3200, s13;
	s13 =	simm.s32 $0x80  }
.LBB2_1:
0x11: {  	[spmem:s11], [sflag:s6] =	dma.local [hbm:s5], $0x2800  }
0x12: {  	_ =	swait.ge [sflag:s12], $0x2800  }
0x13: {  	[sflag:s12] =	ssyncset.done $0x0  }
0x14: {  	[sflag:s12] =	ssyncadd.s32 $0xFFFFD800  }
0x15: {  	s19 =	sadd.s32 $0x0, s10;
	[bflag:$0x0] =	sbarrier.arrive $0xFFFF  }
0x16: {  	[tilespmem:s3], [sflag:$0x3] =	stream.linear.gather [hbm4b:s19+s3], $0x50, $0x38;
	[tilespmem:$0x16900] =	vst v63  }
0x17: {  	_ =	swait.ge [sflag:s12], $0x50  }
0x18: {  	[sflag:s12] =	ssyncset.done $0x0  }
0x19: {  	s31 =	sadd.s32 $0x0, s9;
	[sflag:s12] =	ssyncadd.s32 $0xFFFFFFB0  }
0x1a: {  	[tilespmem:s13], [sflag:$0x3] =	stream.linear.gather [hbm4b:s31+s3], $0x50, $0x38;
	[tilespmem:$0x16900] =	vst v63  }
0x1b: {  	_ =	swait.ge [sflag:s12], $0x50  }
0x1c: {  	[sflag:s12] =	ssyncset.done $0x0  }
0x1d: {  	[sflag:s12] =	ssyncadd.s32 $0xFFFFFFB0  }
0x1e: {  	[tilespmem:s15], [sflag:$0x1] =	stream.indirect.gather [hbm4b:s4+s14], $0x80, s3, s14, $0xb8;
	[tilespmem:$0x16900] =	vst v63  }
0x1f: {  	_ =	swait.ge [sflag:s16], $0x2800  }
0x20: {  	[sflag:s16] =	ssyncset.done $0x0  }
0x21: {  	[sflag:s16] =	ssyncadd.s32 $0xFFFFD800  }
0x22: {  	[spmem:s2] =	stream.indirect.scatter.add.f32 [tilespmem:s15], [sflag:$0x2], $0x80, s13, s14, $0xb8;
	[tilespmem:$0x16900] =	vst v63  }
0x23: {  	_ =	swait.ge [sflag:s17], $0x2800  }
0x24: {  	s20 =	simm.s32 $0x14;
	s19 =	simm.s32 $0xA;
	[sflag:s17] =	ssyncset.done $0x0  }
.LBB2_2:
0x25: {  	s21 =	sadd.s32 s19, s10  }
0x26: {  	[sflag:s17] =	ssyncadd.s32 $0xFFFFD800;
	s22 =	smov.u32 s20;
	s23 =	sadd.s32 $0xA, s20  }
0x27: {  	[tilespmem:s3], [sflag:$0x3] =	stream.linear.gather [hbm4b:s21+s3], $0x50, $0x38;
	[tilespmem:$0x16900] =	vst v63  }
0x28: {  	p0 =	sne.s32 s20, $0x4D8;
	_ =	swait.ge [sflag:s12], $0x50  }
0x29: {  	[sflag:s12] =	ssyncset.done $0x0  }
0x2a: {  	s20 =	sadd.s32 s19, s9;
	s19 =	smov.u32 s22;
	[sflag:s12] =	ssyncadd.s32 $0xFFFFFFB0  }
0x2b: {  	[tilespmem:s13], [sflag:$0x3] =	stream.linear.gather [hbm4b:s20+s3], $0x50, $0x38;
	[tilespmem:$0x16900] =	vst v63  }
0x2c: {  	_ =	swait.ge [sflag:s12], $0x50  }
0x2d: {  	[sflag:s12] =	ssyncset.done $0x0  }
0x2e: {  	[sflag:s12] =	ssyncadd.s32 $0xFFFFFFB0  }
0x2f: {  	[tilespmem:s15], [sflag:$0x1] =	stream.indirect.gather [hbm4b:s4+s14], $0x80, s3, s14, $0xb8;
	[tilespmem:$0x16900] =	vst v63  }
0x30: {  	_ =	swait.ge [sflag:s16], $0x2800  }
.Ltmp0:
0x31: {  	[sflag:s16] =	ssyncset.done $0x0;
	(pc) =	sbr.rel @p0 .LBB2_2-.Ltmp0, $4  }
0x32: {  	[sflag:s16] =	ssyncadd.s32 $0xFFFFD800  }
0x33: {  	[spmem:s2] =	stream.indirect.scatter.add.f32 [tilespmem:s15], [sflag:$0x2], $0x80, s13, s14, $0xb8;
	[tilespmem:$0x16900] =	vst v63  }
0x34: {  	_ =	swait.ge [sflag:s17], $0x2800  }
0x35: {  	s20 =	smov.u32 s23;
	[sflag:s17] =	ssyncset.done $0x0  }
0x36: {  	s20 =	sadd.s32 s19, s10;
	[sflag:s17] =	ssyncadd.s32 $0xFFFFD800  }
0x37: {  	[tilespmem:s3], [sflag:$0x3] =	stream.linear.gather [hbm4b:s20+s3], $0x50, $0x38;
	[tilespmem:$0x16900] =	vst v63  }
0x38: {  	_ =	swait.ge [sflag:s12], $0x50  }
0x39: {  	[sflag:s12] =	ssyncset.done $0x0  }
0x3a: {  	s31 =	sadd.s32 s19, s9;
	[sflag:s12] =	ssyncadd.s32 $0xFFFFFFB0  }
0x3b: {  	[tilespmem:s13], [sflag:$0x3] =	stream.linear.gather [hbm4b:s31+s3], $0x50, $0x38;
	[tilespmem:$0x16900] =	vst v63  }
0x3c: {  	_ =	swait.ge [sflag:s12], $0x50  }
0x3d: {  	[sflag:s12] =	ssyncset.done $0x0  }
0x3e: {  	[sflag:s12] =	ssyncadd.s32 $0xFFFFFFB0  }
0x3f: {  	[tilespmem:s15], [sflag:$0x1] =	stream.indirect.gather [hbm4b:s4+s14], $0x80, s3, s14, $0xb8;
	[tilespmem:$0x16900] =	vst v63  }
0x40: {  	_ =	swait.ge [sflag:s16], $0x2800  }
0x41: {  	[sflag:s16] =	ssyncset.done $0x0  }
0x42: {  	[sflag:s16] =	ssyncadd.s32 $0xFFFFD800  }
0x43: {  	[spmem:s2] =	stream.indirect.scatter.add.f32 [tilespmem:s15], [sflag:$0x2], $0x80, s13, s14, $0xb8;
	[tilespmem:$0x16900] =	vst v63  }
0x44: {  	_ =	swait.ge [sflag:s17], $0x2800  }
0x45: {  	s18 =	sadd.s32 $0x1, s18;
	[sflag:s17] =	ssyncset.done $0x0  }
0x46: {  	p0 =	sne.s32 s18, s8;
	[sflag:s17] =	ssyncadd.s32 $0xFFFFD800  }
.Ltmp1:
0x47: {  	[bflag:$0x0] =	sbarrier.arrive $0xFFFF;
	(pc) =	sbr.rel @p0 .LBB2_1-.Ltmp1, $4  }
0x48: {  	[hbm:s7], [sflag:s6] =	dma.local [spmem:s11], $0x2800  }
0x49: {  	_ =	swait.ge [sflag:s12], $0x2800  }
0x4a: {  	[sflag:s12] =	ssyncset.done $0x0  }
0x4b: {  	[sflag:s12] =	ssyncadd.s32 $0xFFFFD800  }
0x4c: {  	_ =	sfence.sel $0x180000  }
0x4d: {  	[bflag:$0x0] =	sbarrier.arrive $0xFFFF  }
0x4e: {  	p0 =	sne.s32 s0, $0x0;
	_ =	strace $0x9000004D  }
0x4f: {  	s0 =	sadd.s32 @!p0 $0x100000, s1;
	[bflag:$0x2] =	sbarrier.arrive $0xFFFF  }
0x50: {  	[sflag:s0] =	ssyncadd.tile.s32 @!p0 $0x1;
	_ =	shalt  }
.Lfunc_end2:
_tile_overlayer_lowered:
.L_overlay_start_2:
0x51: {  	(tag) =	ssettag $0x2  }
0x52: {  	s0 =	rddreg [dreg:$0x0];
	s2 =	stileid.u32  }
0x53: {  	s1 =	rddreg [dreg:$0x1];
	p0 =	sne.s32 s2, $0x0  }
0x54: {  	s3 =	rddreg [dreg:$0x2];
	[bflag:$0x3] =	sbarrier.arrive $0xFFFF;
	s2 =	simm.s32 @!p0 $0x1C03  }
0x55: {  	[timem:s3], [sflag:s2] =	dma.local @!p0 [hbm:s0], s1  }
0x56: {  	s0 =	simm.s32 @!p0 $0x3  }
0x57: {  	_ =	swait.ge @!p0 [sflag:s0], s1  }
0x58: {  	s1 =	ssub.s32 @!p0 $0x0, s1;
	[sflag:s0] =	ssyncset.done @!p0 $0x0  }
0x59: {  	[sflag:s0] =	ssyncadd.s32 @!p0 s1  }
0x5a: {  	[bflag:$0x3] =	sbarrier.arrive $0xFFFF  }
0x5b: {  	_ =	shalt  }

// kernel: kernel.8.cloned.1.call-start
scs
__scs_entry_jumppad:
0x0: {  	(pc) =	sbr.rel $0x88, $3  }
0x1: {  	(tag) =	ssettag $0x0;
	lr =	simm.s32 $0x1  }
0x2: {  	[smem:$0x3F99] =	sst lr;
	_ =	strace $0xD0000000  }
0x3: {  	_ = 	snop  }
0x4: {  	_ = 	snop  }
0x5: {  	_ = 	snop  }
0x6: {  	_ = 	snop  }
0x7: {  	_ = 	snop  }
__scs_overlays_trampoline_lowered:
0x8: {  	[smem:$0x3FA8] =	sst s0  }
0x9: {  	[smem:$0x3FA9] =	sst s1  }
0xa: {  	[smem:$0x3FAA] =	sst s2  }
0xb: {  	[smem:$0x3FAB] =	sst s3  }
0xc: {  	[smem:$0x3FAC] =	sst s4  }
0xd: {  	[smem:$0x3FAD] =	sst s5  }
0xe: {  	[smem:$0x3FAE] =	sst s6  }
0xf: {  	[smem:$0x3FAF] =	sst s7  }
0x10: {  	[smem:$0x3FB0] =	sst s8  }
0x11: {  	[smem:$0x3FB1] =	sst s9;
	s0 =	simm.s32 @!p0 $0x0  }
0x12: {  	s1 =	sld [smem:$0x3F97];
	s0 =	simm.s32 @p0 $0x1  }
0x13: {  	[smem:$0x3FB2] =	sst s0;
	s0 =	simm.s32 @!p1 $0x0  }
0x14: {  	s2 =	sld [smem:$0x3F96];
	s0 =	simm.s32 @p1 $0x1  }
0x15: {  	[smem:$0x3FB3] =	sst s0;
	s0 =	simm.s32 @!p2 $0x0  }
0x16: {  	s3 =	sld [smem:$0x3FDB];
	s0 =	simm.s32 @p2 $0x1  }
0x17: {  	s4 =	simm.s32 $0x1BF5;
	[smem:$0x3FB5] =	sst s0  }
0x18: {  	s0 =	sld [smem:$0x3F98];
	_ =	swait.ge [sflag:s4], $0x0  }
0x19: {  	s7 =	sld [smem:$0x3F99]  }
0x1a: {  	s8 =	sadd.s32 $0xFFFFE003, lr  }
0x1b: {  	s9 =	sadd.s32 $0xFFFFFEF7, lr;
	s5 =	simm.s32 $0xFFFFFFFF;
	p2 =	slt.u32 s8, $0xFFFFF086  }
0x1c: {  	p1 =	slt.u32 s9, $0xF7A;
	s5 =	simm.s32 @!p2 $0x0  }
0x1d: {  	s5 =	simm.s32 @p1 $0x1;
	p0 =	seq.s32 s7, s2  }
0x1e: {  	s7 =	smul.u32 @!p0 $0xF7A, s2;
	p2 =	seq.s32 @!p0 s5, $0x0  }
0x1f: {  	s9 =	smul.u32 $0xF7A, s1;
	s8 =	simm.s32 @!p0 $0x1BF5;
	p2 =	por !p2, p0  }
0x20: {  	[sflag:s8] =	ssyncset.s32 @!p0 $0xFFFFF086;
	s6 =	sadd.s32 @!p0 s3, s7;
	s7 =	simm.s32 @!p0 $0x108  }
0x21: {  	s3 =	sadd.s32 s3, s9;
	s6 =	sadd.s32 @!p0 $0x88, s6;
	s7 =	simm.s32 @p2 $0x1082  }
0x22: {  	[simem:s7], [sflag:s8] =	dma.local @!p0 [hbm:s6], $0xF7A  }
0x23: {  	s9 =	sor.u32 $0xD0000000, s2;
	s6 =	simm.s32 $0x108;
	_ =	swait.ge @!p0 [sflag:s8], $0x0  }
0x24: {  	s3 =	sadd.s32 $0x88, s3;
	s6 =	simm.s32 @!p1 $0x1082;
	[sflag:s4] =	ssyncset.s32 $0xFFFFF086  }
0x25: {  	[simem:s6], [sflag:s4] =	dma.local [hbm:s3], $0xF7A  }
0x26: {  	[smem:$0x3F99] =	sst s1;
	(tag) =	ssettag s2;
	_ =	strace s9  }
0x27: {  	s1 =	sld [smem:$0x3FA9]  }
0x28: {  	s2 =	sld [smem:$0x3FAA]  }
0x29: {  	s4 =	sld [smem:$0x3FAC]  }
0x2a: {  	p0 =	seq.s32 s5, $0x0;
	s5 =	sld [smem:$0x3FAD]  }
0x2b: {  	s6 =	sld [smem:$0x3FAE]  }
0x2c: {  	s7 =	sld [smem:$0x3FAF]  }
0x2d: {  	s3 =	simm.s32 $0x108;
	s8 =	sld [smem:$0x3FB0]  }
0x2e: {  	s3 =	simm.s32 @!p0 $0x1082;
	s9 =	sld [smem:$0x3FB1]  }
0x2f: {  	lr =	sadd.s32 s0, s3;
	s0 =	sld [smem:$0x3FA8]  }
0x30: {  	s3 =	sld [smem:$0x3FAB]  }
0x31: {  	[smem:$0x3FB4] =	sst s10  }
0x32: {  	s10 =	sld [smem:$0x3FB2];
	_ =	sdelay $0x3  }
0x33: {  	p0 =	seq.s32 s10, $0x1;
	s10 =	sld [smem:$0x3FB4];
	_ =	sdelay $0x3  }
0x34: {  	[smem:$0x3FB4] =	sst s10  }
0x35: {  	s10 =	sld [smem:$0x3FB3];
	_ =	sdelay $0x3  }
0x36: {  	p1 =	seq.s32 s10, $0x1;
	s10 =	sld [smem:$0x3FB4];
	_ =	sdelay $0x3  }
0x37: {  	[smem:$0x3FB4] =	sst s10  }
0x38: {  	s10 =	sld [smem:$0x3FB5]  }
0x39: {  	_ = 	snop;
	(pc) =	sbr.ind lr, $3  }
0x3a: {  	_ = 	snop  }
0x3b: {  	_ = 	snop  }
0x3c: {  	p2 =	seq.s32 s10, $0x1;
	s10 =	sld [smem:$0x3FB4]  }
0x3d: {  	_ =	shalt  }
0x3e: {  	_ =	shalt  }
0x3f: {  	_ =	shalt  }
0x40: {  	_ =	shalt  }
0x41: {  	_ =	shalt  }
0x42: {  	_ =	shalt  }
0x43: {  	_ =	shalt  }
0x44: {  	_ =	shalt  }
0x45: {  	_ =	shalt  }
0x46: {  	_ =	shalt  }
0x47: {  	_ =	shalt  }
0x48: {  	_ =	shalt  }
0x49: {  	_ =	shalt  }
0x4a: {  	_ =	shalt  }
0x4b: {  	_ =	shalt  }
0x4c: {  	_ =	shalt  }
0x4d: {  	_ =	shalt  }
0x4e: {  	_ =	shalt  }
0x4f: {  	_ =	shalt  }
0x50: {  	_ =	shalt  }
0x51: {  	_ =	shalt  }
0x52: {  	_ =	shalt  }
0x53: {  	_ =	shalt  }
0x54: {  	_ =	shalt  }
0x55: {  	_ =	shalt  }
0x56: {  	_ =	shalt  }
0x57: {  	_ =	shalt  }
0x58: {  	_ =	shalt  }
0x59: {  	_ =	shalt  }
0x5a: {  	_ =	shalt  }
0x5b: {  	_ =	shalt  }
0x5c: {  	_ =	shalt  }
0x5d: {  	_ =	shalt  }
0x5e: {  	_ =	shalt  }
0x5f: {  	_ =	shalt  }
0x60: {  	_ =	shalt  }
0x61: {  	_ =	shalt  }
0x62: {  	_ =	shalt  }
0x63: {  	_ =	shalt  }
0x64: {  	_ =	shalt  }
0x65: {  	_ =	shalt  }
0x66: {  	_ =	shalt  }
0x67: {  	_ =	shalt  }
0x68: {  	_ =	shalt  }
0x69: {  	_ =	shalt  }
0x6a: {  	_ =	shalt  }
0x6b: {  	_ =	shalt  }
0x6c: {  	_ =	shalt  }
0x6d: {  	_ =	shalt  }
0x6e: {  	_ =	shalt  }
0x6f: {  	_ =	shalt  }
0x70: {  	_ =	shalt  }
0x71: {  	_ =	shalt  }
0x72: {  	_ =	shalt  }
0x73: {  	_ =	shalt  }
0x74: {  	_ =	shalt  }
0x75: {  	_ =	shalt  }
0x76: {  	_ =	shalt  }
0x77: {  	_ =	shalt  }
0x78: {  	_ =	shalt  }
0x79: {  	_ =	shalt  }
0x7a: {  	_ =	shalt  }
0x7b: {  	_ =	shalt  }
0x7c: {  	_ =	shalt  }
0x7d: {  	_ =	shalt  }
0x7e: {  	_ =	shalt  }
0x7f: {  	_ =	shalt  }
0x80: {  	_ =	shalt  }
0x81: {  	_ =	shalt  }
0x82: {  	_ =	shalt  }
0x83: {  	_ =	shalt  }
0x84: {  	_ =	shalt  }
0x85: {  	_ =	shalt  }
0x86: {  	_ =	shalt  }
0x87: {  	_ =	shalt  }
.Lfunc_end0:
.L_simem_size_0:
called_computation_lowered:
.L_overlay_start_0:
0x88: {  	s2 =	sld [smem:$0x3FD9]  }
0x89: {  	s3 =	sld [smem:$0x3FFE];
	_ =	sdelay $0x1  }
0x8a: {  	s1 =	srdreg.scid  }
0x8b: {  	s0 =	sand.u32 $0x1, s1  }
0x8c: {  	s16 =	sshll.u32 s0, $0xA;
	s2 =	sadd.s32 s3, s2  }
0x8d: {  	s2 =	sadd.s32 s2, s16  }
0x8e: {  	[smem:$0x3FC0] =	sst s2  }
0x8f: {  	_ = 	snop  }
0x90: {  	(tm) =	ssettm $0x1  }
0x91: {  	s17 =	sld [smem:$0x3FFB];
	_ =	sdelay $0x3  }
0x92: {  	_ =	strace s17  }
0x93: {  	s2 =	sld [smem:$0x3FFC];
	_ =	sdelay $0x3  }
0x94: {  	_ =	strace s2  }
0x95: {  	s2 =	sld [smem:$0x3FFD];
	_ =	sdelay $0x3  }
0x96: {  	_ =	strace s2  }
0x97: {  	_ =	strace $0x8FFFFFFF  }
0x98: {  	s18 =	sld [smem:$0x3FDB];
	_ =	sdelay $0x1  }
0x99: {  	s19 =	simm.s32 $_scs_section_size  }
0x9a: {  	s4 =	simm.s32 $_size__tile_overlayer_lowered;
	s5 =	simm.s32 $_tile_overlayer_lowered  }
0x9b: {  	s22 =	simm.s32 $0x1BFF;
	s21 =	sshll.u32 s5, $0x1;
	s2 =	sadd.s32 s19, s18  }
0x9c: {  	s6 =	simm.s32 $0x0;
	s20 =	sshll.u32 s4, $0x1;
	s4 =	sadd.s32 s21, s2  }
0x9d: {  	[timem:s6], [sflag:s22] =	dma.local [hbm:s4], s20  }
0x9e: {  	_ =	swait.ge [sflag:s22], s20  }
0x9f: {  	s3 =	ssub.s32 $0x0, s20;
	[sflag:s22] =	ssyncset.done $0x0  }
0xa0: {  	[sflag:s22] =	ssyncadd.s32 s3;
	_ =	sdelay $0x1  }
0xa1: {  	s23 =	simm.s32 $0x1B8B  }
0xa2: {  	_ =	swait.ge [sflag:s23], $0x1  }
0xa3: {  	[sflag:s23] =	ssyncset.done $0x0  }
0xa4: {  	s25 =	simm.s32 $0x1B8E;
	s24 =	sld [smem:$0x3FFE];
	[sflag:s23] =	ssyncadd.s32 $0xFFFFFFFF  }
0xa5: {  	s26 =	simm.s32 $execute0_lowered;
	[smem:$0x3FD2] =	sst s25  }
0xa6: {  	s4 =	sshll.u32 s26, $0x1;
	_ =	strace $0x80000046;
	[dreg:$0x1] =	wrdreg $0xFFFFFFFF  }
0xa7: {  	s28 =	simm.s32 $_size_execute0_lowered;
	s2 =	sadd.s32 s2, s4;
	[dreg:$0x0] =	wrdreg $0x0  }
0xa8: {  	s4 =	sshll.u32 s28, $0x1;
	[dreg:$0x2] =	wrdreg s2  }
0xa9: {  	[dreg:$0x3] =	wrdreg s4  }
0xaa: {  	[dreg:$0x4] =	wrdreg $0xC0  }
0xab: {  	_ =	task [dreg:s6], $0x5FFFF  }
0xac: {  	[dreg:$0x1] =	wrdreg $0xFFFFFFFF  }
0xad: {  	[dreg:$0x0] =	wrdreg $0x60  }
0xae: {  	[dreg:$0x2] =	wrdreg s24  }
0xaf: {  	[dreg:$0x3] =	wrdreg $0x28800  }
0xb0: {  	[dreg:$0x4] =	wrdreg $0x9  }
0xb1: {  	_ =	task.clear_ibuf [dreg:s6], $0x5FFFF;
	_ =	strace $0x90000046  }
0xb2: {  	s29 =	simm.s32 $0x9;
	_ =	strace $0x80000048  }
0xb3: {  	_ =	swait.ge [sflag:s29], $0x1  }
0xb4: {  	[sflag:s29] =	ssyncadd.s32 $0xFFFFFFFF  }
0xb5: {  	_ =	strace $0x90000048  }
0xb6: {  	_ =	sfence  }
0xb7: {  	s30 =	sld [smem:$0x0];
	_ =	sdelay $0x2  }
0xb8: {  	s31 =	sshll.u32 s1, $0xD;
	s1 =	sshrl.u32 s1, $0x2  }
0xb9: {  	s3 =	sand.u32 $0x4000, s31;
	s1 =	sadd.s32 s1, s30  }
0xba: {  	s0 =	sor.u32 s3, s0;
	s1 =	sshll.u32 s1, $0x11  }
0xbb: {  	s0 =	sor.u32 s1, s0  }
0xbc: {  	s0 =	sadd.s32 $0x8F2B, s0  }
0xbd: {  	[sflag:s0] =	ssyncadd.remote.s32 $0x1  }
0xbe: {  	_ =	sfence.sel $0xFFFF  }
0xbf: {  	[dreg:$0x0] =	wrdreg $0xFFFFFFFF;
	(pc) =	sbr.abs _section_cstart, $3  }
0xc0: {  	[dreg:$0x1] =	wrdreg $0xFFFFFFFF  }
0xc1: {  	_ =	task.clear_ibuf [dreg:s6], $0x2FFFF;
	_ =	strace $0x9FFFFFFF  }
0xc2: {  	(tm) =	ssettm $0x7FFFFFFF  }
0xc3: {  	_ =	shalt  }
tec
execute0_lowered:
.L_overlay_start_1:
0x0: {  	(tag) =	ssettag $0x1  }
0x1: {  	s5 =	rddreg [dreg:$0x0]  }
0x2: {  	s0 =	srdreg.scid;
	s2 =	rddreg [dreg:$0x1]  }
0x3: {  	s1 =	rddreg [dreg:$0x2];
	s6 =	sand.u32 $0x1, s0  }
0x4: {  	s0 =	stileid.u32;
	s4 =	smul.u32 $0x27100, s6  }
0x5: {  	s3 =	simm.s32 $0x0;
	s13 =	simm.s32 $0x50;
	s7 =	smul.u32 $0x2710, s0  }
0x6: {  	s14 =	simm.s32 $0x1;
	[smem:$0x7FF] =	sst s3;
	s26 =	smul.u32 $0x14000, s0  }
0x7: {  	s15 =	simm.s32 $0x0;
	s8 =	smul.u32 $0x140000, s6;
	_ =	strace $0x80000047  }
0x8: {  	s6 =	ssub.s32 $0x2, s6;
	s28 =	smul.u32 $0x50000, s0;
	s31 =	sshll.u32 s0, $0x6  }
0x9: {  	s29 =	sshrl.u32 s6, $0x1;
	s4 =	sadd.s32 s7, s4;
	s10 =	sshrl.u32 s26, $0x3  }
0xa: {  	s7 =	sadd.s32 s26, s8;
	s11 =	ssub.s32 s6, s29;
	s30 =	sshrl.u32 s28, $0x2  }
0xb: {  	s6 =	sor.u32 $0x1C02, s31;
	s4 =	sshrl.u32 s4, $0x3;
	s7 =	sshrl.u32 s7, $0x3  }
0xc: {  	s10 =	sadd.s32 s10, s5;
	s12 =	sadd.s32 s30, s2;
	s8 =	smax.u32 s11, $0x1  }
0xd: {  	s11 =	simm.s32 $0x2;
	s9 =	sadd.s32 s4, s5;
	s4 =	sadd.s32 $0xD000, s5  }
0xe: {  	s7 =	sadd.s32 s7, s5;
	s5 =	sadd.s32 $0xD600, s10;
	s10 =	sshrl.u32 s12, $0x3  }
0xf: {  	s12 =	simm.s32 $0x80;
	s7 =	sadd.s32 $0x35600, s7;
	s9 =	sadd.s32 $0x3200, s9  }
.LBB2_1:
0x10: {  	[spmem:s10], [sflag:s6] =	dma.local [hbm:s5], $0x2800  }
0x11: {  	_ =	swait.ge [sflag:s11], $0x2800  }
0x12: {  	[sflag:s11] =	ssyncset.done $0x0  }
0x13: {  	[sflag:s11] =	ssyncadd.s32 $0xFFFFD800  }
0x14: {  	[tilespmem:s12], [sflag:$0x2] =	stream.linear.gather [hbm4b:s4+s3], $0x2800, $0x38;
	[tilespmem:$0x16880] =	vst v63  }
0x15: {  	_ =	swait.ge [sflag:s11], $0x2800  }
0x16: {  	[sflag:s11] =	ssyncset.done $0x0  }
0x17: {  	[sflag:s11] =	ssyncadd.s32 $0xFFFFD800  }
0x18: {  	s16 =	sadd.s32 $0x0, s9;
	[bflag:$0x0] =	sbarrier.arrive $0xFFFF  }
0x19: {  	[tilespmem:s3], [sflag:$0x2] =	stream.linear.gather [hbm4b:s16+s3], $0x50, $0x38;
	[tilespmem:$0x16880] =	vst v63  }
0x1a: {  	_ =	swait.ge [sflag:s11], $0x50  }
0x1b: {  	[sflag:s11] =	ssyncset.done $0x0  }
0x1c: {  	[sflag:s11] =	ssyncadd.s32 $0xFFFFFFB0  }
0x1d: {  	[spmem:s2] =	stream.indirect.scatter.add.f32 [tilespmem:s12], [sflag:$0x1], $0x80, s3, s13, $0xb8;
	[tilespmem:$0x16880] =	vst v63  }
0x1e: {  	_ =	swait.ge [sflag:s14], $0x2800  }
0x1f: {  	s17 =	simm.s32 $0x14;
	s16 =	simm.s32 $0xA;
	[sflag:s14] =	ssyncset.done $0x0  }
.LBB2_2:
0x20: {  	s18 =	sadd.s32 s16, s9  }
0x21: {  	[sflag:s14] =	ssyncadd.s32 $0xFFFFD800;
	s16 =	smov.u32 s17;
	s19 =	sadd.s32 $0xA, s17  }
0x22: {  	[tilespmem:s3], [sflag:$0x2] =	stream.linear.gather [hbm4b:s18+s3], $0x50, $0x38;
	[tilespmem:$0x16880] =	vst v63  }
0x23: {  	p0 =	sne.s32 s17, $0x4D8;
	_ =	swait.ge [sflag:s11], $0x50  }
.Ltmp0:
0x24: {  	[sflag:s11] =	ssyncset.done $0x0;
	(pc) =	sbr.rel @p0 .LBB2_2-.Ltmp0, $4  }
0x25: {  	[sflag:s11] =	ssyncadd.s32 $0xFFFFFFB0  }
0x26: {  	[spmem:s2] =	stream.indirect.scatter.add.f32 [tilespmem:s12], [sflag:$0x1], $0x80, s3, s13, $0xb8;
	[tilespmem:$0x16880] =	vst v63  }
0x27: {  	_ =	swait.ge [sflag:s14], $0x2800  }
0x28: {  	s17 =	smov.u32 s19;
	[sflag:s14] =	ssyncset.done $0x0  }
0x29: {  	s16 =	sadd.s32 s16, s9;
	[sflag:s14] =	ssyncadd.s32 $0xFFFFD800  }
0x2a: {  	[tilespmem:s3], [sflag:$0x2] =	stream.linear.gather [hbm4b:s16+s3], $0x50, $0x38;
	[tilespmem:$0x16880] =	vst v63  }
0x2b: {  	_ =	swait.ge [sflag:s11], $0x50  }
0x2c: {  	[sflag:s11] =	ssyncset.done $0x0  }
0x2d: {  	[sflag:s11] =	ssyncadd.s32 $0xFFFFFFB0  }
0x2e: {  	[spmem:s2] =	stream.indirect.scatter.add.f32 [tilespmem:s12], [sflag:$0x1], $0x80, s3, s13, $0xb8;
	[tilespmem:$0x16880] =	vst v63  }
0x2f: {  	_ =	swait.ge [sflag:s14], $0x2800  }
0x30: {  	s15 =	sadd.s32 $0x1, s15;
	[sflag:s14] =	ssyncset.done $0x0  }
0x31: {  	p0 =	sne.s32 s15, s8;
	[sflag:s14] =	ssyncadd.s32 $0xFFFFD800  }
.Ltmp1:
0x32: {  	[bflag:$0x0] =	sbarrier.arrive $0xFFFF;
	(pc) =	sbr.rel @p0 .LBB2_1-.Ltmp1, $4  }
0x33: {  	[hbm:s7], [sflag:s6] =	dma.local [spmem:s10], $0x2800  }
0x34: {  	_ =	swait.ge [sflag:s11], $0x2800  }
0x35: {  	[sflag:s11] =	ssyncset.done $0x0  }
0x36: {  	[sflag:s11] =	ssyncadd.s32 $0xFFFFD800  }
0x37: {  	_ =	sfence.sel $0x180000  }
0x38: {  	[bflag:$0x0] =	sbarrier.arrive $0xFFFF  }
0x39: {  	p0 =	sne.s32 s0, $0x0;
	_ =	strace $0x90000047  }
0x3a: {  	s0 =	sadd.s32 @!p0 $0x100000, s1;
	[bflag:$0x2] =	sbarrier.arrive $0xFFFF  }
0x3b: {  	[sflag:s0] =	ssyncadd.tile.s32 @!p0 $0x1;
	_ =	shalt  }
.Lfunc_end2:
_tile_overlayer_lowered:
.L_overlay_start_2:
0x3c: {  	(tag) =	ssettag $0x2  }
0x3d: {  	s0 =	rddreg [dreg:$0x0];
	s2 =	stileid.u32  }
0x3e: {  	s1 =	rddreg [dreg:$0x1];
	p0 =	sne.s32 s2, $0x0  }
0x3f: {  	s3 =	rddreg [dreg:$0x2];
	[bflag:$0x3] =	sbarrier.arrive $0xFFFF;
	s2 =	simm.s32 @!p0 $0x1C02  }
0x40: {  	[timem:s3], [sflag:s2] =	dma.local @!p0 [hbm:s0], s1  }
0x41: {  	s0 =	simm.s32 @!p0 $0x2  }
0x42: {  	_ =	swait.ge @!p0 [sflag:s0], s1  }
0x43: {  	s1 =	ssub.s32 @!p0 $0x0, s1;
	[sflag:s0] =	ssyncset.done @!p0 $0x0  }
0x44: {  	[sflag:s0] =	ssyncadd.s32 @!p0 s1  }
0x45: {  	[bflag:$0x3] =	sbarrier.arrive $0xFFFF  }
0x46: {  	_ =	shalt  }

</sc_bundles>
